<compile_context>
chip_gen: v7x
topology: tpu7x:2x2x1
jax: 0.10.2.dev20260603
libtpu: 0.0.44.dev20260713+nightly
codegen_flags: <defaults>
</compile_context>

<pallas_src>
import functools
import math

import jax
import jax.numpy as jnp
from jax import lax
from jax.experimental import pallas as pl
from jax.experimental.pallas import tpu as pltpu
from jax.experimental.pallas import tpu_sc as plsc

_Z_DIM = 10
_M = 4096
_N = 1024
_NC = 2
_NS = 16
_L = 16
_NW = _NC * _NS
_RPW = _M // _NW
_CH = 16


def _affine_consts():
    p = 0.75
    zs = []
    for k in range(_Z_DIM):
        geo = k * math.log(1.0 - p) + math.log(p)
        log_comb = (
            math.lgamma(_Z_DIM + 1.0)
            - math.lgamma(k + 1.0)
            - math.lgamma(_Z_DIM - k + 1.0)
        )
        zs.append(log_comb + geo)
    mx = max(zs)
    z = mx + math.log(sum(math.exp(v - mx) for v in zs))
    a = math.log(1.0 - p)
    b = math.log(p) - z
    return a, b


_A, _B = _affine_consts()


def _sc_body(zt_pack_hbm, zm_pack_hbm, out_hbm, zm_v, zt_v, out_v, *, rpw):
    wid = lax.axis_index("s") * _NC + lax.axis_index("c")
    base = wid * rpw
    pltpu.sync_copy(zm_pack_hbm, zm_v)

    def chunk_body(c, carry):
        row0 = base + c * _CH
        pltpu.sync_copy(zt_pack_hbm.at[pl.ds(row0, _CH)], zt_v)

        def row_body(i2, carry):
            i0 = i2 * 2
            i1 = i0 + 1
            rows = []
            for i in (i0, i1):
                ztv = [zt_v[i, d, :] for d in range(_Z_DIM)]
                tsa = zt_v[i, _Z_DIM, :]
                rows.append((i, ztv, tsa))

            @plsc.parallel_loop(0, _N, step=_L, unroll=4)
            def jv_body(j0):
                zm = [zm_v[d, pl.ds(j0, _L)] for d in range(_Z_DIM + 1)]
                for i, ztv, tsa in rows:
                    macc = jnp.minimum(ztv[0], zm[0])
                    for d in range(1, _Z_DIM):
                        macc = macc + jnp.minimum(ztv[d], zm[d])
                    dist = (tsa + zm[_Z_DIM]) - macc - macc
                    k = dist.astype(jnp.int32).astype(jnp.float32)
                    out_v[i, pl.ds(j0, _L)] = k * _A + _B

            return carry

        carry = lax.fori_loop(0, _CH // 2, row_body, carry)
        pltpu.sync_copy(out_v, out_hbm.at[pl.ds(row0, _CH)])
        return carry

    lax.fori_loop(0, rpw // _CH, chunk_body, 0)


def _sc_call(zt, ztm1):
    m = zt.shape[0]
    sa = jnp.sum(zt, axis=1, keepdims=True)
    zt_pack = jnp.broadcast_to(
        jnp.concatenate([zt, sa], axis=1)[:, :, None], (m, _Z_DIM + 1, _L)
    )
    sb = jnp.sum(ztm1, axis=1, keepdims=True)
    zm_pack = jnp.concatenate([ztm1, sb], axis=1).T

    mesh = plsc.VectorSubcoreMesh(core_axis_name="c", subcore_axis_name="s")
    call = pl.kernel(
        functools.partial(_sc_body, rpw=m // _NW),
        mesh=mesh,
        out_type=jax.ShapeDtypeStruct((m, _N), jnp.float32),
        scratch_types=[
            pltpu.VMEM((_Z_DIM + 1, _N), jnp.float32),
            pltpu.VMEM((_CH, _Z_DIM + 1, _L), jnp.float32),
            pltpu.VMEM((_CH, _N), jnp.float32),
        ],
    )
    return call(zt_pack, zm_pack)


def _tc_kernel(zt_ref, zmt_ref, out_ref):
    sa = jnp.sum(zt_ref[...], axis=1, keepdims=True)
    sb = zmt_ref[0:1, :]
    for d in range(1, _Z_DIM):
        sb = sb + zmt_ref[d : d + 1, :]
    macc = jnp.minimum(zt_ref[:, 0:1], zmt_ref[0:1, :])
    for d in range(1, _Z_DIM):
        macc = macc + jnp.minimum(zt_ref[:, d : d + 1], zmt_ref[d : d + 1, :])
    dist = (sa + sb) - macc - macc
    k = jnp.floor(dist)
    out_ref[...] = k * _A + _B


def _tc_call(zt, ztm1, bi=512):
    m = zt.shape[0]
    zmt = ztm1.T
    return pl.pallas_call(
        _tc_kernel,
        grid=(m // bi,),
        in_specs=[
            pl.BlockSpec((bi, _Z_DIM), lambda i: (i, 0)),
            pl.BlockSpec((_Z_DIM, _N), lambda i: (0, 0)),
        ],
        out_specs=pl.BlockSpec((bi, _N), lambda i: (i, 0)),
        out_shape=jax.ShapeDtypeStruct((m, _N), jnp.float32),
    )(zt, zmt)


def kernel(zt, ztm1):
    sc_part = _sc_call(zt[:_SC_ROWS], ztm1)
    tc_full = _tc_call_partial(zt, ztm1)
    return jax.lax.dynamic_update_slice(tc_full, sc_part, (0, 0))


_SC_ROWS = 512


def _tc_call_partial(zt, ztm1, bi=512):
    m = zt.shape[0]
    off = _SC_ROWS // bi
    zmt = ztm1.T
    return pl.pallas_call(
        _tc_kernel,
        grid=((m - _SC_ROWS) // bi,),
        in_specs=[
            pl.BlockSpec((bi, _Z_DIM), lambda i: (i + off, 0)),
            pl.BlockSpec((_Z_DIM, _N), lambda i: (0, 0)),
        ],
        out_specs=pl.BlockSpec((bi, _N), lambda i: (i + off, 0)),
        out_shape=jax.ShapeDtypeStruct((m, _N), jnp.float32),
    )(zt, zmt)

# --- scband reference (transcript-rebuilt; emitter-appended) ---
"""Pipeline reference for scband-p-zz-fixed-76605036692124 (READ-ONLY COPY).

The authoritative reference and input builder live on the scoring server;
editing this copy changes nothing except your own understanding.
"""

import jax, jax.numpy as jnp
import numpy as np
from jax.scipy.special import logsumexp, gammaln

Z_DIM = 10

def _probs():
    p = 0.75
    ks = jnp.arange(Z_DIM, dtype=jnp.float32)
    geo = ks * jnp.log(1.0 - p) + jnp.log(p)
    log_comb = gammaln(Z_DIM + 1.0) - gammaln(ks + 1.0) - gammaln(Z_DIM - ks + 1.0)
    Zs = log_comb + geo
    return geo - logsumexp(Zs)

def setup_inputs(seed: int = 0) -> dict:
    key = jax.random.key(seed)
    k1, k2 = jax.random.split(key)
    zt = jax.random.uniform(k1, (4096, Z_DIM), dtype=jnp.float32)
    ztm1 = jax.random.uniform(k2, (1024, Z_DIM), dtype=jnp.float32)
    return {"zt": zt, "ztm1": ztm1}

def reference(zt, ztm1):
    probs = _probs()
    k = jnp.sum(jnp.abs(ztm1[None] - zt[:, None]), -1).astype(jnp.int32)
    return probs[k]

if __name__ == "__main__":
    import jax
    _d = setup_inputs()
    print(jax.jit(kernel)(*tuple(_d.values())))

</pallas_src>

<mosaic_0001>
#map = affine_map<(d0, d1) -> (0, 0, 0)>
#map1 = affine_map<(d0, d1) -> (0, 0)>
module attributes {stable_mosaic.version = 14 : i64} {
  func.func @_sc_body(%arg0: i32, %arg1: i32, %arg2: memref<512x11x16xf32, #tpu.memory_space<hbm>>, %arg3: memref<11x1024xf32, #tpu.memory_space<hbm>>, %arg4: memref<512x1024xf32, #tpu.memory_space<hbm>>, %arg5: memref<11x1024xf32, #tpu.memory_space<vmem>>, %arg6: memref<16x11x16xf32, #tpu.memory_space<vmem>>, %arg7: memref<16x1024xf32, #tpu.memory_space<vmem>>) attributes {dimension_semantics = [#tpu.dimension_semantics<core_parallel>, #tpu.dimension_semantics<subcore_parallel>], iteration_bounds = array<i64: 2, 16>, scalar_prefetch = 0 : i64, scratch_operands = 3 : i64, tpu.core_type = #tpu.core_type<sc_vector_subcore>, window_params = [{transform_indices = #map}, {transform_indices = #map1}, {transform_indices = #map1}]} {
    %mul3A = arith.constant 2 : i32
    %mul3A_0 = arith.muli %arg1, %mul3A : i32
    %add3A = arith.addi %mul3A_0, %arg0 : i32
    %mul3A_1 = arith.constant 16 : i32
    %mul3A_2 = arith.muli %add3A, %mul3A_1 : i32
    "tpu.region"() ({
      %run_scoped3A = tpu.sem_alloc : memref<!tpu.dma_semaphore, #tpu.memory_space<semaphore_mem>>
      tpu.enqueue_dma source(%arg3 : memref<11x1024xf32, #tpu.memory_space<hbm>>) target(%arg5 : memref<11x1024xf32, #tpu.memory_space<vmem>>) target_semaphore(%run_scoped3A : memref<!tpu.dma_semaphore, #tpu.memory_space<semaphore_mem>>)
      tpu.wait_dma2 semaphore(%run_scoped3A : memref<!tpu.dma_semaphore, #tpu.memory_space<semaphore_mem>>) src(%arg3 : memref<11x1024xf32, #tpu.memory_space<hbm>>) dst(%arg5 : memref<11x1024xf32, #tpu.memory_space<vmem>>)
      tpu.yield
    }) : () -> ()
    %scan3A = arith.constant 0 : i32
    %scan3A_3 = arith.constant 0 : i32
    %mul3A_4 = arith.constant 16 : i32
    %mul3A_5 = arith.muli %scan3A_3, %mul3A_4 : i32
    %add3A_6 = arith.addi %mul3A_2, %mul3A_5 : i32
    "tpu.region"() ({
      %run_scoped3A = tpu.sem_alloc : memref<!tpu.dma_semaphore, #tpu.memory_space<semaphore_mem>>
      %dma_start3A = arith.constant 0 : i32
      %dma_start3A_13 = arith.constant 0 : i32
      %dma_start3A_14 = tpu.memref_slice %arg2[%add3A_6, %dma_start3A, %dma_start3A_13] : memref<512x11x16xf32, #tpu.memory_space<hbm>> -> memref<16x11x16xf32, #tpu.memory_space<hbm>>
      %dma_start3A_15 = arith.constant 0 : i32
      %dma_start3A_16 = arith.constant 0 : i32
      %dma_start3A_17 = tpu.memref_slice %arg2[%add3A_6, %dma_start3A_15, %dma_start3A_16] : memref<512x11x16xf32, #tpu.memory_space<hbm>> -> memref<16x11x16xf32, #tpu.memory_space<hbm>>
      tpu.enqueue_dma source(%dma_start3A_17 : memref<16x11x16xf32, #tpu.memory_space<hbm>>) target(%arg6 : memref<16x11x16xf32, #tpu.memory_space<vmem>>) target_semaphore(%run_scoped3A : memref<!tpu.dma_semaphore, #tpu.memory_space<semaphore_mem>>)
      %dma_wait3A = arith.constant 0 : i32
      %dma_wait3A_18 = arith.constant 0 : i32
      %dma_wait3A_19 = tpu.memref_slice %arg2[%add3A_6, %dma_wait3A, %dma_wait3A_18] : memref<512x11x16xf32, #tpu.memory_space<hbm>> -> memref<16x11x16xf32, #tpu.memory_space<hbm>>
      %dma_wait3A_20 = arith.constant 0 : i32
      %dma_wait3A_21 = arith.constant 0 : i32
      %dma_wait3A_22 = tpu.memref_slice %arg2[%add3A_6, %dma_wait3A_20, %dma_wait3A_21] : memref<512x11x16xf32, #tpu.memory_space<hbm>> -> memref<16x11x16xf32, #tpu.memory_space<hbm>>
      tpu.wait_dma2 semaphore(%run_scoped3A : memref<!tpu.dma_semaphore, #tpu.memory_space<semaphore_mem>>) src(%dma_wait3A_22 : memref<16x11x16xf32, #tpu.memory_space<hbm>>) dst(%arg6 : memref<16x11x16xf32, #tpu.memory_space<vmem>>)
      tpu.yield
    }) : () -> ()
    %scan3A_7 = arith.constant 0 : i32
    %scan3A_8 = arith.constant 8 : i32
    %scan3A_9 = arith.addi %scan3A_7, %scan3A_8 : i32
    %scan3A_10 = arith.constant 1 : i32
    scf.for %scan3A_13 = %scan3A_7 to %scan3A_9 step %scan3A_10  : i32 {
      %mul3A_14 = arith.constant 2 : i32
      %mul3A_15 = arith.muli %scan3A_13, %mul3A_14 : i32
      %add3A_16 = arith.constant 1 : i32
      %add3A_17 = arith.addi %mul3A_15, %add3A_16 : i32
      %get3A = arith.constant 0 : i32
      %get3A_18 = arith.index_cast %mul3A_15 : i32 to index
      %get3A_19 = arith.index_cast %get3A : i32 to index
      %get3A_20 = arith.constant 0 : index
      %get3A_21 = tpu.vector_load %arg6[%get3A_18, %get3A_19, %get3A_20] {strides = array<i32>} : memref<16x11x16xf32, #tpu.memory_space<vmem>>, vector<1x1x16xf32>,
      %get3A_22 = vector.shape_cast %get3A_21 : vector<1x1x16xf32> to vector<16xf32>
      %get3A_23 = arith.constant 1 : i32
      %get3A_24 = arith.index_cast %mul3A_15 : i32 to index
      %get3A_25 = arith.index_cast %get3A_23 : i32 to index
      %get3A_26 = arith.constant 0 : index
      %get3A_27 = tpu.vector_load %arg6[%get3A_24, %get3A_25, %get3A_26] {strides = array<i32>} : memref<16x11x16xf32, #tpu.memory_space<vmem>>, vector<1x1x16xf32>,
      %get3A_28 = vector.shape_cast %get3A_27 : vector<1x1x16xf32> to vector<16xf32>
      %get3A_29 = arith.constant 2 : i32
      %get3A_30 = arith.index_cast %mul3A_15 : i32 to index
      %get3A_31 = arith.index_cast %get3A_29 : i32 to index
      %get3A_32 = arith.constant 0 : index
      %get3A_33 = tpu.vector_load %arg6[%get3A_30, %get3A_31, %get3A_32] {strides = array<i32>} : memref<16x11x16xf32, #tpu.memory_space<vmem>>, vector<1x1x16xf32>,
      %get3A_34 = vector.shape_cast %get3A_33 : vector<1x1x16xf32> to vector<16xf32>
      %get3A_35 = arith.constant 3 : i32
      %get3A_36 = arith.index_cast %mul3A_15 : i32 to index
      %get3A_37 = arith.index_cast %get3A_35 : i32 to index
      %get3A_38 = arith.constant 0 : index
      %get3A_39 = tpu.vector_load %arg6[%get3A_36, %get3A_37, %get3A_38] {strides = array<i32>} : memref<16x11x16xf32, #tpu.memory_space<vmem>>, vector<1x1x16xf32>,
      %get3A_40 = vector.shape_cast %get3A_39 : vector<1x1x16xf32> to vector<16xf32>
      %get3A_41 = arith.constant 4 : i32
      %get3A_42 = arith.index_cast %mul3A_15 : i32 to index
      %get3A_43 = arith.index_cast %get3A_41 : i32 to index
      %get3A_44 = arith.constant 0 : index
      %get3A_45 = tpu.vector_load %arg6[%get3A_42, %get3A_43, %get3A_44] {strides = array<i32>} : memref<16x11x16xf32, #tpu.memory_space<vmem>>, vector<1x1x16xf32>,
      %get3A_46 = vector.shape_cast %get3A_45 : vector<1x1x16xf32> to vector<16xf32>
      %get3A_47 = arith.constant 5 : i32
      %get3A_48 = arith.index_cast %mul3A_15 : i32 to index
      %get3A_49 = arith.index_cast %get3A_47 : i32 to index
      %get3A_50 = arith.constant 0 : index
      %get3A_51 = tpu.vector_load %arg6[%get3A_48, %get3A_49, %get3A_50] {strides = array<i32>} : memref<16x11x16xf32, #tpu.memory_space<vmem>>, vector<1x1x16xf32>,
      %get3A_52 = vector.shape_cast %get3A_51 : vector<1x1x16xf32> to vector<16xf32>
      %get3A_53 = arith.constant 6 : i32
      %get3A_54 = arith.index_cast %mul3A_15 : i32 to index
      %get3A_55 = arith.index_cast %get3A_53 : i32 to index
      %get3A_56 = arith.constant 0 : index
      %get3A_57 = tpu.vector_load %arg6[%get3A_54, %get3A_55, %get3A_56] {strides = array<i32>} : memref<16x11x16xf32, #tpu.memory_space<vmem>>, vector<1x1x16xf32>,
      %get3A_58 = vector.shape_cast %get3A_57 : vector<1x1x16xf32> to vector<16xf32>
      %get3A_59 = arith.constant 7 : i32
      %get3A_60 = arith.index_cast %mul3A_15 : i32 to index
      %get3A_61 = arith.index_cast %get3A_59 : i32 to index
      %get3A_62 = arith.constant 0 : index
      %get3A_63 = tpu.vector_load %arg6[%get3A_60, %get3A_61, %get3A_62] {strides = array<i32>} : memref<16x11x16xf32, #tpu.memory_space<vmem>>, vector<1x1x16xf32>,
      %get3A_64 = vector.shape_cast %get3A_63 : vector<1x1x16xf32> to vector<16xf32>
      %get3A_65 = arith.constant 8 : i32
      %get3A_66 = arith.index_cast %mul3A_15 : i32 to index
      %get3A_67 = arith.index_cast %get3A_65 : i32 to index
      %get3A_68 = arith.constant 0 : index
      %get3A_69 = tpu.vector_load %arg6[%get3A_66, %get3A_67, %get3A_68] {strides = array<i32>} : memref<16x11x16xf32, #tpu.memory_space<vmem>>, vector<1x1x16xf32>,
      %get3A_70 = vector.shape_cast %get3A_69 : vector<1x1x16xf32> to vector<16xf32>
      %get3A_71 = arith.constant 9 : i32
      %get3A_72 = arith.index_cast %mul3A_15 : i32 to index
      %get3A_73 = arith.index_cast %get3A_71 : i32 to index
      %get3A_74 = arith.constant 0 : index
      %get3A_75 = tpu.vector_load %arg6[%get3A_72, %get3A_73, %get3A_74] {strides = array<i32>} : memref<16x11x16xf32, #tpu.memory_space<vmem>>, vector<1x1x16xf32>,
      %get3A_76 = vector.shape_cast %get3A_75 : vector<1x1x16xf32> to vector<16xf32>
      %get3A_77 = arith.constant 10 : i32
      %get3A_78 = arith.index_cast %mul3A_15 : i32 to index
      %get3A_79 = arith.index_cast %get3A_77 : i32 to index
      %get3A_80 = arith.constant 0 : index
      %get3A_81 = tpu.vector_load %arg6[%get3A_78, %get3A_79, %get3A_80] {strides = array<i32>} : memref<16x11x16xf32, #tpu.memory_space<vmem>>, vector<1x1x16xf32>,
      %get3A_82 = vector.shape_cast %get3A_81 : vector<1x1x16xf32> to vector<16xf32>
      %get3A_83 = arith.constant 0 : i32
      %get3A_84 = arith.index_cast %add3A_17 : i32 to index
      %get3A_85 = arith.index_cast %get3A_83 : i32 to index
      %get3A_86 = arith.constant 0 : index
      %get3A_87 = tpu.vector_load %arg6[%get3A_84, %get3A_85, %get3A_86] {strides = array<i32>} : memref<16x11x16xf32, #tpu.memory_space<vmem>>, vector<1x1x16xf32>,
      %get3A_88 = vector.shape_cast %get3A_87 : vector<1x1x16xf32> to vector<16xf32>
      %get3A_89 = arith.constant 1 : i32
      %get3A_90 = arith.index_cast %add3A_17 : i32 to index
      %get3A_91 = arith.index_cast %get3A_89 : i32 to index
      %get3A_92 = arith.constant 0 : index
      %get3A_93 = tpu.vector_load %arg6[%get3A_90, %get3A_91, %get3A_92] {strides = array<i32>} : memref<16x11x16xf32, #tpu.memory_space<vmem>>, vector<1x1x16xf32>,
      %get3A_94 = vector.shape_cast %get3A_93 : vector<1x1x16xf32> to vector<16xf32>
      %get3A_95 = arith.constant 2 : i32
      %get3A_96 = arith.index_cast %add3A_17 : i32 to index
      %get3A_97 = arith.index_cast %get3A_95 : i32 to index
      %get3A_98 = arith.constant 0 : index
      %get3A_99 = tpu.vector_load %arg6[%get3A_96, %get3A_97, %get3A_98] {strides = array<i32>} : memref<16x11x16xf32, #tpu.memory_space<vmem>>, vector<1x1x16xf32>,
      %get3A_100 = vector.shape_cast %get3A_99 : vector<1x1x16xf32> to vector<16xf32>
      %get3A_101 = arith.constant 3 : i32
      %get3A_102 = arith.index_cast %add3A_17 : i32 to index
      %get3A_103 = arith.index_cast %get3A_101 : i32 to index
      %get3A_104 = arith.constant 0 : index
      %get3A_105 = tpu.vector_load %arg6[%get3A_102, %get3A_103, %get3A_104] {strides = array<i32>} : memref<16x11x16xf32, #tpu.memory_space<vmem>>, vector<1x1x16xf32>,
      %get3A_106 = vector.shape_cast %get3A_105 : vector<1x1x16xf32> to vector<16xf32>
      %get3A_107 = arith.constant 4 : i32
      %get3A_108 = arith.index_cast %add3A_17 : i32 to index
      %get3A_109 = arith.index_cast %get3A_107 : i32 to index
      %get3A_110 = arith.constant 0 : index
      %get3A_111 = tpu.vector_load %arg6[%get3A_108, %get3A_109, %get3A_110] {strides = array<i32>} : memref<16x11x16xf32, #tpu.memory_space<vmem>>, vector<1x1x16xf32>,
      %get3A_112 = vector.shape_cast %get3A_111 : vector<1x1x16xf32> to vector<16xf32>
      %get3A_113 = arith.constant 5 : i32
      %get3A_114 = arith.index_cast %add3A_17 : i32 to index
      %get3A_115 = arith.index_cast %get3A_113 : i32 to index
      %get3A_116 = arith.constant 0 : index
      %get3A_117 = tpu.vector_load %arg6[%get3A_114, %get3A_115, %get3A_116] {strides = array<i32>} : memref<16x11x16xf32, #tpu.memory_space<vmem>>, vector<1x1x16xf32>,
      %get3A_118 = vector.shape_cast %get3A_117 : vector<1x1x16xf32> to vector<16xf32>
      %get3A_119 = arith.constant 6 : i32
      %get3A_120 = arith.index_cast %add3A_17 : i32 to index
      %get3A_121 = arith.index_cast %get3A_119 : i32 to index
      %get3A_122 = arith.constant 0 : index
      %get3A_123 = tpu.vector_load %arg6[%get3A_120, %get3A_121, %get3A_122] {strides = array<i32>} : memref<16x11x16xf32, #tpu.memory_space<vmem>>, vector<1x1x16xf32>,
      %get3A_124 = vector.shape_cast %get3A_123 : vector<1x1x16xf32> to vector<16xf32>
      %get3A_125 = arith.constant 7 : i32
      %get3A_126 = arith.index_cast %add3A_17 : i32 to index
      %get3A_127 = arith.index_cast %get3A_125 : i32 to index
      %get3A_128 = arith.constant 0 : index
      %get3A_129 = tpu.vector_load %arg6[%get3A_126, %get3A_127, %get3A_128] {strides = array<i32>} : memref<16x11x16xf32, #tpu.memory_space<vmem>>, vector<1x1x16xf32>,
      %get3A_130 = vector.shape_cast %get3A_129 : vector<1x1x16xf32> to vector<16xf32>
      %get3A_131 = arith.constant 8 : i32
      %get3A_132 = arith.index_cast %add3A_17 : i32 to index
      %get3A_133 = arith.index_cast %get3A_131 : i32 to index
      %get3A_134 = arith.constant 0 : index
      %get3A_135 = tpu.vector_load %arg6[%get3A_132, %get3A_133, %get3A_134] {strides = array<i32>} : memref<16x11x16xf32, #tpu.memory_space<vmem>>, vector<1x1x16xf32>,
      %get3A_136 = vector.shape_cast %get3A_135 : vector<1x1x16xf32> to vector<16xf32>
      %get3A_137 = arith.constant 9 : i32
      %get3A_138 = arith.index_cast %add3A_17 : i32 to index
      %get3A_139 = arith.index_cast %get3A_137 : i32 to index
      %get3A_140 = arith.constant 0 : index
      %get3A_141 = tpu.vector_load %arg6[%get3A_138, %get3A_139, %get3A_140] {strides = array<i32>} : memref<16x11x16xf32, #tpu.memory_space<vmem>>, vector<1x1x16xf32>,
      %get3A_142 = vector.shape_cast %get3A_141 : vector<1x1x16xf32> to vector<16xf32>
      %get3A_143 = arith.constant 10 : i32
      %get3A_144 = arith.index_cast %add3A_17 : i32 to index
      %get3A_145 = arith.index_cast %get3A_143 : i32 to index
      %get3A_146 = arith.constant 0 : index
      %get3A_147 = tpu.vector_load %arg6[%get3A_144, %get3A_145, %get3A_146] {strides = array<i32>} : memref<16x11x16xf32, #tpu.memory_space<vmem>>, vector<1x1x16xf32>,
      %get3A_148 = vector.shape_cast %get3A_147 : vector<1x1x16xf32> to vector<16xf32>
      %parallel_loop3A = arith.constant 0 : i32
      %parallel_loop3A_149 = arith.constant 1024 : i32
      %parallel_loop3A_150 = arith.constant 16 : i32
      scf.for %parallel_loop3A_151 = %parallel_loop3A to %parallel_loop3A_149 step %parallel_loop3A_150  : i32 {
        %parallel_loop3A_152 = arith.constant 0 : i32
        %parallel_loop3A_153 = arith.index_cast %parallel_loop3A_152 : i32 to index
        %parallel_loop3A_154 = arith.index_cast %parallel_loop3A_151 : i32 to index
        %parallel_loop3A_155 = tpu.vector_load %arg5[%parallel_loop3A_153, %parallel_loop3A_154] {strides = array<i32>} : memref<11x1024xf32, #tpu.memory_space<vmem>>, vector<1x16xf32>,
        %parallel_loop3A_156 = vector.shape_cast %parallel_loop3A_155 : vector<1x16xf32> to vector<16xf32>
        %parallel_loop3A_157 = arith.constant 1 : i32
        %parallel_loop3A_158 = arith.index_cast %parallel_loop3A_157 : i32 to index
        %parallel_loop3A_159 = arith.index_cast %parallel_loop3A_151 : i32 to index
        %parallel_loop3A_160 = tpu.vector_load %arg5[%parallel_loop3A_158, %parallel_loop3A_159] {strides = array<i32>} : memref<11x1024xf32, #tpu.memory_space<vmem>>, vector<1x16xf32>,
        %parallel_loop3A_161 = vector.shape_cast %parallel_loop3A_160 : vector<1x16xf32> to vector<16xf32>
        %parallel_loop3A_162 = arith.constant 2 : i32
        %parallel_loop3A_163 = arith.index_cast %parallel_loop3A_162 : i32 to index
        %parallel_loop3A_164 = arith.index_cast %parallel_loop3A_151 : i32 to index
        %parallel_loop3A_165 = tpu.vector_load %arg5[%parallel_loop3A_163, %parallel_loop3A_164] {strides = array<i32>} : memref<11x1024xf32, #tpu.memory_space<vmem>>, vector<1x16xf32>,
        %parallel_loop3A_166 = vector.shape_cast %parallel_loop3A_165 : vector<1x16xf32> to vector<16xf32>
        %parallel_loop3A_167 = arith.constant 3 : i32
        %parallel_loop3A_168 = arith.index_cast %parallel_loop3A_167 : i32 to index
        %parallel_loop3A_169 = arith.index_cast %parallel_loop3A_151 : i32 to index
        %parallel_loop3A_170 = tpu.vector_load %arg5[%parallel_loop3A_168, %parallel_loop3A_169] {strides = array<i32>} : memref<11x1024xf32, #tpu.memory_space<vmem>>, vector<1x16xf32>,
        %parallel_loop3A_171 = vector.shape_cast %parallel_loop3A_170 : vector<1x16xf32> to vector<16xf32>
        %parallel_loop3A_172 = arith.constant 4 : i32
        %parallel_loop3A_173 = arith.index_cast %parallel_loop3A_172 : i32 to index
        %parallel_loop3A_174 = arith.index_cast %parallel_loop3A_151 : i32 to index
        %parallel_loop3A_175 = tpu.vector_load %arg5[%parallel_loop3A_173, %parallel_loop3A_174] {strides = array<i32>} : memref<11x1024xf32, #tpu.memory_space<vmem>>, vector<1x16xf32>,
        %parallel_loop3A_176 = vector.shape_cast %parallel_loop3A_175 : vector<1x16xf32> to vector<16xf32>
        %parallel_loop3A_177 = arith.constant 5 : i32
        %parallel_loop3A_178 = arith.index_cast %parallel_loop3A_177 : i32 to index
        %parallel_loop3A_179 = arith.index_cast %parallel_loop3A_151 : i32 to index
        %parallel_loop3A_180 = tpu.vector_load %arg5[%parallel_loop3A_178, %parallel_loop3A_179] {strides = array<i32>} : memref<11x1024xf32, #tpu.memory_space<vmem>>, vector<1x16xf32>,
        %parallel_loop3A_181 = vector.shape_cast %parallel_loop3A_180 : vector<1x16xf32> to vector<16xf32>
        %parallel_loop3A_182 = arith.constant 6 : i32
        %parallel_loop3A_183 = arith.index_cast %parallel_loop3A_182 : i32 to index
        %parallel_loop3A_184 = arith.index_cast %parallel_loop3A_151 : i32 to index
        %parallel_loop3A_185 = tpu.vector_load %arg5[%parallel_loop3A_183, %parallel_loop3A_184] {strides = array<i32>} : memref<11x1024xf32, #tpu.memory_space<vmem>>, vector<1x16xf32>,
        %parallel_loop3A_186 = vector.shape_cast %parallel_loop3A_185 : vector<1x16xf32> to vector<16xf32>
        %parallel_loop3A_187 = arith.constant 7 : i32
        %parallel_loop3A_188 = arith.index_cast %parallel_loop3A_187 : i32 to index
        %parallel_loop3A_189 = arith.index_cast %parallel_loop3A_151 : i32 to index
        %parallel_loop3A_190 = tpu.vector_load %arg5[%parallel_loop3A_188, %parallel_loop3A_189] {strides = array<i32>} : memref<11x1024xf32, #tpu.memory_space<vmem>>, vector<1x16xf32>,
        %parallel_loop3A_191 = vector.shape_cast %parallel_loop3A_190 : vector<1x16xf32> to vector<16xf32>
        %parallel_loop3A_192 = arith.constant 8 : i32
        %parallel_loop3A_193 = arith.index_cast %parallel_loop3A_192 : i32 to index
        %parallel_loop3A_194 = arith.index_cast %parallel_loop3A_151 : i32 to index
        %parallel_loop3A_195 = tpu.vector_load %arg5[%parallel_loop3A_193, %parallel_loop3A_194] {strides = array<i32>} : memref<11x1024xf32, #tpu.memory_space<vmem>>, vector<1x16xf32>,
        %parallel_loop3A_196 = vector.shape_cast %parallel_loop3A_195 : vector<1x16xf32> to vector<16xf32>
        %parallel_loop3A_197 = arith.constant 9 : i32
        %parallel_loop3A_198 = arith.index_cast %parallel_loop3A_197 : i32 to index
        %parallel_loop3A_199 = arith.index_cast %parallel_loop3A_151 : i32 to index
        %parallel_loop3A_200 = tpu.vector_load %arg5[%parallel_loop3A_198, %parallel_loop3A_199] {strides = array<i32>} : memref<11x1024xf32, #tpu.memory_space<vmem>>, vector<1x16xf32>,
        %parallel_loop3A_201 = vector.shape_cast %parallel_loop3A_200 : vector<1x16xf32> to vector<16xf32>
        %parallel_loop3A_202 = arith.constant 10 : i32
        %parallel_loop3A_203 = arith.index_cast %parallel_loop3A_202 : i32 to index
        %parallel_loop3A_204 = arith.index_cast %parallel_loop3A_151 : i32 to index
        %parallel_loop3A_205 = tpu.vector_load %arg5[%parallel_loop3A_203, %parallel_loop3A_204] {strides = array<i32>} : memref<11x1024xf32, #tpu.memory_space<vmem>>, vector<1x16xf32>,
        %parallel_loop3A_206 = vector.shape_cast %parallel_loop3A_205 : vector<1x16xf32> to vector<16xf32>
        %parallel_loop3A_207 = arith.minimumf %get3A_22, %parallel_loop3A_156 : vector<16xf32>
        %parallel_loop3A_208 = arith.minimumf %get3A_28, %parallel_loop3A_161 : vector<16xf32>
        %parallel_loop3A_209 = arith.addf %parallel_loop3A_207, %parallel_loop3A_208 : vector<16xf32>
        %parallel_loop3A_210 = arith.minimumf %get3A_34, %parallel_loop3A_166 : vector<16xf32>
        %parallel_loop3A_211 = arith.addf %parallel_loop3A_209, %parallel_loop3A_210 : vector<16xf32>
        %parallel_loop3A_212 = arith.minimumf %get3A_40, %parallel_loop3A_171 : vector<16xf32>
        %parallel_loop3A_213 = arith.addf %parallel_loop3A_211, %parallel_loop3A_212 : vector<16xf32>
        %parallel_loop3A_214 = arith.minimumf %get3A_46, %parallel_loop3A_176 : vector<16xf32>
        %parallel_loop3A_215 = arith.addf %parallel_loop3A_213, %parallel_loop3A_214 : vector<16xf32>
        %parallel_loop3A_216 = arith.minimumf %get3A_52, %parallel_loop3A_181 : vector<16xf32>
        %parallel_loop3A_217 = arith.addf %parallel_loop3A_215, %parallel_loop3A_216 : vector<16xf32>
        %parallel_loop3A_218 = arith.minimumf %get3A_58, %parallel_loop3A_186 : vector<16xf32>
        %parallel_loop3A_219 = arith.addf %parallel_loop3A_217, %parallel_loop3A_218 : vector<16xf32>
        %parallel_loop3A_220 = arith.minimumf %get3A_64, %parallel_loop3A_191 : vector<16xf32>
        %parallel_loop3A_221 = arith.addf %parallel_loop3A_219, %parallel_loop3A_220 : vector<16xf32>
        %parallel_loop3A_222 = arith.minimumf %get3A_70, %parallel_loop3A_196 : vector<16xf32>
        %parallel_loop3A_223 = arith.addf %parallel_loop3A_221, %parallel_loop3A_222 : vector<16xf32>
        %parallel_loop3A_224 = arith.minimumf %get3A_76, %parallel_loop3A_201 : vector<16xf32>
        %parallel_loop3A_225 = arith.addf %parallel_loop3A_223, %parallel_loop3A_224 : vector<16xf32>
        %parallel_loop3A_226 = arith.addf %get3A_82, %parallel_loop3A_206 : vector<16xf32>
        %parallel_loop3A_227 = arith.subf %parallel_loop3A_226, %parallel_loop3A_225 : vector<16xf32>
        %parallel_loop3A_228 = arith.subf %parallel_loop3A_227, %parallel_loop3A_225 : vector<16xf32>
        %parallel_loop3A_229 = arith.fptosi %parallel_loop3A_228 : vector<16xf32> to vector<16xi32>
        %parallel_loop3A_230 = arith.sitofp %parallel_loop3A_229 : vector<16xi32> to vector<16xf32>
        %parallel_loop3A_231 = arith.constant -1.38629436 : f32
        %parallel_loop3A_232 = vector.broadcast %parallel_loop3A_231 : f32 to vector<16xf32>
        %parallel_loop3A_233 = arith.mulf %parallel_loop3A_230, %parallel_loop3A_232 : vector<16xf32>
        %parallel_loop3A_234 = arith.constant -2.2314353 : f32
        %parallel_loop3A_235 = vector.broadcast %parallel_loop3A_234 : f32 to vector<16xf32>
        %parallel_loop3A_236 = arith.addf %parallel_loop3A_233, %parallel_loop3A_235 : vector<16xf32>
        %parallel_loop3A_237 = arith.index_cast %mul3A_15 : i32 to index
        %parallel_loop3A_238 = arith.index_cast %parallel_loop3A_151 : i32 to index
        %parallel_loop3A_239 = tpu.vector_load %arg7[%parallel_loop3A_237, %parallel_loop3A_238] {strides = array<i32>} : memref<16x1024xf32, #tpu.memory_space<vmem>>, vector<1x16xf32>,
        %parallel_loop3A_240 = vector.shape_cast %parallel_loop3A_239 : vector<1x16xf32> to vector<16xf32>
        %parallel_loop3A_241 = vector.shape_cast %parallel_loop3A_236 : vector<16xf32> to vector<1x16xf32>
        tpu.vector_store %arg7[%parallel_loop3A_237, %parallel_loop3A_238], %parallel_loop3A_241 {strides = array<i32>} : memref<16x1024xf32, #tpu.memory_space<vmem>>, vector<1x16xf32>,
        %parallel_loop3A_242 = arith.minimumf %get3A_88, %parallel_loop3A_156 : vector<16xf32>
        %parallel_loop3A_243 = arith.minimumf %get3A_94, %parallel_loop3A_161 : vector<16xf32>
        %parallel_loop3A_244 = arith.addf %parallel_loop3A_242, %parallel_loop3A_243 : vector<16xf32>
        %parallel_loop3A_245 = arith.minimumf %get3A_100, %parallel_loop3A_166 : vector<16xf32>
        %parallel_loop3A_246 = arith.addf %parallel_loop3A_244, %parallel_loop3A_245 : vector<16xf32>
        %parallel_loop3A_247 = arith.minimumf %get3A_106, %parallel_loop3A_171 : vector<16xf32>
        %parallel_loop3A_248 = arith.addf %parallel_loop3A_246, %parallel_loop3A_247 : vector<16xf32>
        %parallel_loop3A_249 = arith.minimumf %get3A_112, %parallel_loop3A_176 : vector<16xf32>
        %parallel_loop3A_250 = arith.addf %parallel_loop3A_248, %parallel_loop3A_249 : vector<16xf32>
        %parallel_loop3A_251 = arith.minimumf %get3A_118, %parallel_loop3A_181 : vector<16xf32>
        %parallel_loop3A_252 = arith.addf %parallel_loop3A_250, %parallel_loop3A_251 : vector<16xf32>
        %parallel_loop3A_253 = arith.minimumf %get3A_124, %parallel_loop3A_186 : vector<16xf32>
        %parallel_loop3A_254 = arith.addf %parallel_loop3A_252, %parallel_loop3A_253 : vector<16xf32>
        %parallel_loop3A_255 = arith.minimumf %get3A_130, %parallel_loop3A_191 : vector<16xf32>
        %parallel_loop3A_256 = arith.addf %parallel_loop3A_254, %parallel_loop3A_255 : vector<16xf32>
        %parallel_loop3A_257 = arith.minimumf %get3A_136, %parallel_loop3A_196 : vector<16xf32>
        %parallel_loop3A_258 = arith.addf %parallel_loop3A_256, %parallel_loop3A_257 : vector<16xf32>
        %parallel_loop3A_259 = arith.minimumf %get3A_142, %parallel_loop3A_201 : vector<16xf32>
        %parallel_loop3A_260 = arith.addf %parallel_loop3A_258, %parallel_loop3A_259 : vector<16xf32>
        %parallel_loop3A_261 = arith.addf %get3A_148, %parallel_loop3A_206 : vector<16xf32>
        %parallel_loop3A_262 = arith.subf %parallel_loop3A_261, %parallel_loop3A_260 : vector<16xf32>
        %parallel_loop3A_263 = arith.subf %parallel_loop3A_262, %parallel_loop3A_260 : vector<16xf32>
        %parallel_loop3A_264 = arith.fptosi %parallel_loop3A_263 : vector<16xf32> to vector<16xi32>
        %parallel_loop3A_265 = arith.sitofp %parallel_loop3A_264 : vector<16xi32> to vector<16xf32>
        %parallel_loop3A_266 = arith.constant -1.38629436 : f32
        %parallel_loop3A_267 = vector.broadcast %parallel_loop3A_266 : f32 to vector<16xf32>
        %parallel_loop3A_268 = arith.mulf %parallel_loop3A_265, %parallel_loop3A_267 : vector<16xf32>
        %parallel_loop3A_269 = arith.constant -2.2314353 : f32
        %parallel_loop3A_270 = vector.broadcast %parallel_loop3A_269 : f32 to vector<16xf32>
        %parallel_loop3A_271 = arith.addf %parallel_loop3A_268, %parallel_loop3A_270 : vector<16xf32>
        %parallel_loop3A_272 = arith.index_cast %add3A_17 : i32 to index
        %parallel_loop3A_273 = arith.index_cast %parallel_loop3A_151 : i32 to index
        %parallel_loop3A_274 = tpu.vector_load %arg7[%parallel_loop3A_272, %parallel_loop3A_273] {strides = array<i32>} : memref<16x1024xf32, #tpu.memory_space<vmem>>, vector<1x16xf32>,
        %parallel_loop3A_275 = vector.shape_cast %parallel_loop3A_274 : vector<1x16xf32> to vector<16xf32>
        %parallel_loop3A_276 = vector.shape_cast %parallel_loop3A_271 : vector<16xf32> to vector<1x16xf32>
        tpu.vector_store %arg7[%parallel_loop3A_272, %parallel_loop3A_273], %parallel_loop3A_276 {strides = array<i32>} : memref<16x1024xf32, #tpu.memory_space<vmem>>, vector<1x16xf32>,
      } {sc.loop_unroll_factor = 4 : i64, sc.parallel_access}
    }
    %scan3A_11 = arith.constant 8 : i32
    "tpu.region"() ({
      %run_scoped3A = tpu.sem_alloc : memref<!tpu.dma_semaphore, #tpu.memory_space<semaphore_mem>>
      %dma_start3A = arith.constant 0 : i32
      %dma_start3A_13 = tpu.memref_slice %arg4[%add3A_6, %dma_start3A] : memref<512x1024xf32, #tpu.memory_space<hbm>> -> memref<16x1024xf32, #tpu.memory_space<hbm>>
      %dma_start3A_14 = arith.constant 0 : i32
      %dma_start3A_15 = tpu.memref_slice %arg4[%add3A_6, %dma_start3A_14] : memref<512x1024xf32, #tpu.memory_space<hbm>> -> memref<16x1024xf32, #tpu.memory_space<hbm>>
      tpu.enqueue_dma source(%arg7 : memref<16x1024xf32, #tpu.memory_space<vmem>>) target(%dma_start3A_15 : memref<16x1024xf32, #tpu.memory_space<hbm>>) target_semaphore(%run_scoped3A : memref<!tpu.dma_semaphore, #tpu.memory_space<semaphore_mem>>)
      %dma_wait3A = arith.constant 0 : i32
      %dma_wait3A_16 = tpu.memref_slice %arg4[%add3A_6, %dma_wait3A] : memref<512x1024xf32, #tpu.memory_space<hbm>> -> memref<16x1024xf32, #tpu.memory_space<hbm>>
      %dma_wait3A_17 = arith.constant 0 : i32
      %dma_wait3A_18 = tpu.memref_slice %arg4[%add3A_6, %dma_wait3A_17] : memref<512x1024xf32, #tpu.memory_space<hbm>> -> memref<16x1024xf32, #tpu.memory_space<hbm>>
      tpu.wait_dma2 semaphore(%run_scoped3A : memref<!tpu.dma_semaphore, #tpu.memory_space<semaphore_mem>>) src(%arg7 : memref<16x1024xf32, #tpu.memory_space<vmem>>) dst(%dma_wait3A_18 : memref<16x1024xf32, #tpu.memory_space<hbm>>)
      tpu.yield
    }) : () -> ()
    %scan3A_12 = arith.constant 1 : i32
    return
  }
}

module attributes {stable_mosaic.version = 14 : i64} {
  func.func @_tc_kernel(%arg0: i32, %arg1: memref<512x10xf32, #tpu.memory_space<vmem>>, %arg2: memref<10x1024xf32, #tpu.memory_space<vmem>>, %arg3: memref<512x1024xf32, #tpu.memory_space<vmem>>) attributes {dimension_semantics = [#tpu.dimension_semantics<arbitrary>], iteration_bounds = array<i64: 7>, scalar_prefetch = 0 : i64, scratch_operands = 0 : i64, tpu.core_type = #tpu.core_type<tc>, window_params = [{transform_indices = @transform_0, window_bounds = array<i64: 512, 10>}, {pipeline_mode = #tpu.pipeline_mode<synchronous>, transform_indices = @transform_1, window_bounds = array<i64: 10, 1024>}, {transform_indices = @transform_2, window_bounds = array<i64: 512, 1024>}]} {
    %get3A = arith.constant 0 : index
    %get3A_0 = arith.constant 0 : index
    %get3A_1 = vector.load %arg1[%get3A, %get3A_0] : memref<512x10xf32, #tpu.memory_space<vmem>>, vector<512x10xf32>
    %reduce_sum3A = arith.constant dense<0.000000e+00> : vector<512xf32>
    %reduce_sum3A_2 = vector.multi_reduction <add>, %get3A_1, %reduce_sum3A [1] : vector<512x10xf32> to vector<512xf32>
    %broadcast_in_dim3A = vector.shape_cast %reduce_sum3A_2 : vector<512xf32> to vector<512x1xf32>
    %get3A_3 = arith.constant 0 : index
    %get3A_4 = arith.constant 0 : index
    %get3A_5 = vector.load %arg2[%get3A_3, %get3A_4] : memref<10x1024xf32, #tpu.memory_space<vmem>>, vector<1x1024xf32>
    %get3A_6 = arith.constant 1 : index
    %get3A_7 = arith.constant 0 : index
    %get3A_8 = vector.load %arg2[%get3A_6, %get3A_7] : memref<10x1024xf32, #tpu.memory_space<vmem>>, vector<1x1024xf32>
    %add3A = arith.addf %get3A_5, %get3A_8 : vector<1x1024xf32>
    %get3A_9 = arith.constant 2 : index
    %get3A_10 = arith.constant 0 : index
    %get3A_11 = vector.load %arg2[%get3A_9, %get3A_10] : memref<10x1024xf32, #tpu.memory_space<vmem>>, vector<1x1024xf32>
    %add3A_12 = arith.addf %add3A, %get3A_11 : vector<1x1024xf32>
    %get3A_13 = arith.constant 3 : index
    %get3A_14 = arith.constant 0 : index
    %get3A_15 = vector.load %arg2[%get3A_13, %get3A_14] : memref<10x1024xf32, #tpu.memory_space<vmem>>, vector<1x1024xf32>
    %add3A_16 = arith.addf %add3A_12, %get3A_15 : vector<1x1024xf32>
    %get3A_17 = arith.constant 4 : index
    %get3A_18 = arith.constant 0 : index
    %get3A_19 = vector.load %arg2[%get3A_17, %get3A_18] : memref<10x1024xf32, #tpu.memory_space<vmem>>, vector<1x1024xf32>
    %add3A_20 = arith.addf %add3A_16, %get3A_19 : vector<1x1024xf32>
    %get3A_21 = arith.constant 5 : index
    %get3A_22 = arith.constant 0 : index
    %get3A_23 = vector.load %arg2[%get3A_21, %get3A_22] : memref<10x1024xf32, #tpu.memory_space<vmem>>, vector<1x1024xf32>
    %add3A_24 = arith.addf %add3A_20, %get3A_23 : vector<1x1024xf32>
    %get3A_25 = arith.constant 6 : index
    %get3A_26 = arith.constant 0 : index
    %get3A_27 = vector.load %arg2[%get3A_25, %get3A_26] : memref<10x1024xf32, #tpu.memory_space<vmem>>, vector<1x1024xf32>
    %add3A_28 = arith.addf %add3A_24, %get3A_27 : vector<1x1024xf32>
    %get3A_29 = arith.constant 7 : index
    %get3A_30 = arith.constant 0 : index
    %get3A_31 = vector.load %arg2[%get3A_29, %get3A_30] : memref<10x1024xf32, #tpu.memory_space<vmem>>, vector<1x1024xf32>
    %add3A_32 = arith.addf %add3A_28, %get3A_31 : vector<1x1024xf32>
    %get3A_33 = arith.constant 8 : index
    %get3A_34 = arith.constant 0 : index
    %get3A_35 = vector.load %arg2[%get3A_33, %get3A_34] : memref<10x1024xf32, #tpu.memory_space<vmem>>, vector<1x1024xf32>
    %add3A_36 = arith.addf %add3A_32, %get3A_35 : vector<1x1024xf32>
    %get3A_37 = arith.constant 9 : index
    %get3A_38 = arith.constant 0 : index
    %get3A_39 = vector.load %arg2[%get3A_37, %get3A_38] : memref<10x1024xf32, #tpu.memory_space<vmem>>, vector<1x1024xf32>
    %add3A_40 = arith.addf %add3A_36, %get3A_39 : vector<1x1024xf32>
    %get3A_41 = arith.constant 0 : index
    %get3A_42 = arith.constant 0 : index
    %get3A_43 = vector.load %arg1[%get3A_41, %get3A_42] : memref<512x10xf32, #tpu.memory_space<vmem>>, vector<512x1xf32>
    %get3A_44 = arith.constant 0 : index
    %get3A_45 = arith.constant 0 : index
    %get3A_46 = vector.load %arg2[%get3A_44, %get3A_45] : memref<10x1024xf32, #tpu.memory_space<vmem>>, vector<1x1024xf32>
    %min3A = vector.broadcast %get3A_43 : vector<512x1xf32> to vector<512x1024xf32>
    %min3A_47 = vector.broadcast %get3A_46 : vector<1x1024xf32> to vector<512x1024xf32>
    %min3A_48 = arith.minimumf %min3A, %min3A_47 : vector<512x1024xf32>
    %get3A_49 = arith.constant 0 : index
    %get3A_50 = arith.constant 1 : index
    %get3A_51 = vector.load %arg1[%get3A_49, %get3A_50] : memref<512x10xf32, #tpu.memory_space<vmem>>, vector<512x1xf32>
    %get3A_52 = arith.constant 1 : index
    %get3A_53 = arith.constant 0 : index
    %get3A_54 = vector.load %arg2[%get3A_52, %get3A_53] : memref<10x1024xf32, #tpu.memory_space<vmem>>, vector<1x1024xf32>
    %min3A_55 = vector.broadcast %get3A_51 : vector<512x1xf32> to vector<512x1024xf32>
    %min3A_56 = vector.broadcast %get3A_54 : vector<1x1024xf32> to vector<512x1024xf32>
    %min3A_57 = arith.minimumf %min3A_55, %min3A_56 : vector<512x1024xf32>
    %add3A_58 = arith.addf %min3A_48, %min3A_57 : vector<512x1024xf32>
    %get3A_59 = arith.constant 0 : index
    %get3A_60 = arith.constant 2 : index
    %get3A_61 = vector.load %arg1[%get3A_59, %get3A_60] : memref<512x10xf32, #tpu.memory_space<vmem>>, vector<512x1xf32>
    %get3A_62 = arith.constant 2 : index
    %get3A_63 = arith.constant 0 : index
    %get3A_64 = vector.load %arg2[%get3A_62, %get3A_63] : memref<10x1024xf32, #tpu.memory_space<vmem>>, vector<1x1024xf32>
    %min3A_65 = vector.broadcast %get3A_61 : vector<512x1xf32> to vector<512x1024xf32>
    %min3A_66 = vector.broadcast %get3A_64 : vector<1x1024xf32> to vector<512x1024xf32>
    %min3A_67 = arith.minimumf %min3A_65, %min3A_66 : vector<512x1024xf32>
    %add3A_68 = arith.addf %add3A_58, %min3A_67 : vector<512x1024xf32>
    %get3A_69 = arith.constant 0 : index
    %get3A_70 = arith.constant 3 : index
    %get3A_71 = vector.load %arg1[%get3A_69, %get3A_70] : memref<512x10xf32, #tpu.memory_space<vmem>>, vector<512x1xf32>
    %get3A_72 = arith.constant 3 : index
    %get3A_73 = arith.constant 0 : index
    %get3A_74 = vector.load %arg2[%get3A_72, %get3A_73] : memref<10x1024xf32, #tpu.memory_space<vmem>>, vector<1x1024xf32>
    %min3A_75 = vector.broadcast %get3A_71 : vector<512x1xf32> to vector<512x1024xf32>
    %min3A_76 = vector.broadcast %get3A_74 : vector<1x1024xf32> to vector<512x1024xf32>
    %min3A_77 = arith.minimumf %min3A_75, %min3A_76 : vector<512x1024xf32>
    %add3A_78 = arith.addf %add3A_68, %min3A_77 : vector<512x1024xf32>
    %get3A_79 = arith.constant 0 : index
    %get3A_80 = arith.constant 4 : index
    %get3A_81 = vector.load %arg1[%get3A_79, %get3A_80] : memref<512x10xf32, #tpu.memory_space<vmem>>, vector<512x1xf32>
    %get3A_82 = arith.constant 4 : index
    %get3A_83 = arith.constant 0 : index
    %get3A_84 = vector.load %arg2[%get3A_82, %get3A_83] : memref<10x1024xf32, #tpu.memory_space<vmem>>, vector<1x1024xf32>
    %min3A_85 = vector.broadcast %get3A_81 : vector<512x1xf32> to vector<512x1024xf32>
    %min3A_86 = vector.broadcast %get3A_84 : vector<1x1024xf32> to vector<512x1024xf32>
    %min3A_87 = arith.minimumf %min3A_85, %min3A_86 : vector<512x1024xf32>
    %add3A_88 = arith.addf %add3A_78, %min3A_87 : vector<512x1024xf32>
    %get3A_89 = arith.constant 0 : index
    %get3A_90 = arith.constant 5 : index
    %get3A_91 = vector.load %arg1[%get3A_89, %get3A_90] : memref<512x10xf32, #tpu.memory_space<vmem>>, vector<512x1xf32>
    %get3A_92 = arith.constant 5 : index
    %get3A_93 = arith.constant 0 : index
    %get3A_94 = vector.load %arg2[%get3A_92, %get3A_93] : memref<10x1024xf32, #tpu.memory_space<vmem>>, vector<1x1024xf32>
    %min3A_95 = vector.broadcast %get3A_91 : vector<512x1xf32> to vector<512x1024xf32>
    %min3A_96 = vector.broadcast %get3A_94 : vector<1x1024xf32> to vector<512x1024xf32>
    %min3A_97 = arith.minimumf %min3A_95, %min3A_96 : vector<512x1024xf32>
    %add3A_98 = arith.addf %add3A_88, %min3A_97 : vector<512x1024xf32>
    %get3A_99 = arith.constant 0 : index
    %get3A_100 = arith.constant 6 : index
    %get3A_101 = vector.load %arg1[%get3A_99, %get3A_100] : memref<512x10xf32, #tpu.memory_space<vmem>>, vector<512x1xf32>
    %get3A_102 = arith.constant 6 : index
    %get3A_103 = arith.constant 0 : index
    %get3A_104 = vector.load %arg2[%get3A_102, %get3A_103] : memref<10x1024xf32, #tpu.memory_space<vmem>>, vector<1x1024xf32>
    %min3A_105 = vector.broadcast %get3A_101 : vector<512x1xf32> to vector<512x1024xf32>
    %min3A_106 = vector.broadcast %get3A_104 : vector<1x1024xf32> to vector<512x1024xf32>
    %min3A_107 = arith.minimumf %min3A_105, %min3A_106 : vector<512x1024xf32>
    %add3A_108 = arith.addf %add3A_98, %min3A_107 : vector<512x1024xf32>
    %get3A_109 = arith.constant 0 : index
    %get3A_110 = arith.constant 7 : index
    %get3A_111 = vector.load %arg1[%get3A_109, %get3A_110] : memref<512x10xf32, #tpu.memory_space<vmem>>, vector<512x1xf32>
    %get3A_112 = arith.constant 7 : index
    %get3A_113 = arith.constant 0 : index
    %get3A_114 = vector.load %arg2[%get3A_112, %get3A_113] : memref<10x1024xf32, #tpu.memory_space<vmem>>, vector<1x1024xf32>
    %min3A_115 = vector.broadcast %get3A_111 : vector<512x1xf32> to vector<512x1024xf32>
    %min3A_116 = vector.broadcast %get3A_114 : vector<1x1024xf32> to vector<512x1024xf32>
    %min3A_117 = arith.minimumf %min3A_115, %min3A_116 : vector<512x1024xf32>
    %add3A_118 = arith.addf %add3A_108, %min3A_117 : vector<512x1024xf32>
    %get3A_119 = arith.constant 0 : index
    %get3A_120 = arith.constant 8 : index
    %get3A_121 = vector.load %arg1[%get3A_119, %get3A_120] : memref<512x10xf32, #tpu.memory_space<vmem>>, vector<512x1xf32>
    %get3A_122 = arith.constant 8 : index
    %get3A_123 = arith.constant 0 : index
    %get3A_124 = vector.load %arg2[%get3A_122, %get3A_123] : memref<10x1024xf32, #tpu.memory_space<vmem>>, vector<1x1024xf32>
    %min3A_125 = vector.broadcast %get3A_121 : vector<512x1xf32> to vector<512x1024xf32>
    %min3A_126 = vector.broadcast %get3A_124 : vector<1x1024xf32> to vector<512x1024xf32>
    %min3A_127 = arith.minimumf %min3A_125, %min3A_126 : vector<512x1024xf32>
    %add3A_128 = arith.addf %add3A_118, %min3A_127 : vector<512x1024xf32>
    %get3A_129 = arith.constant 0 : index
    %get3A_130 = arith.constant 9 : index
    %get3A_131 = vector.load %arg1[%get3A_129, %get3A_130] : memref<512x10xf32, #tpu.memory_space<vmem>>, vector<512x1xf32>
    %get3A_132 = arith.constant 9 : index
    %get3A_133 = arith.constant 0 : index
    %get3A_134 = vector.load %arg2[%get3A_132, %get3A_133] : memref<10x1024xf32, #tpu.memory_space<vmem>>, vector<1x1024xf32>
    %min3A_135 = vector.broadcast %get3A_131 : vector<512x1xf32> to vector<512x1024xf32>
    %min3A_136 = vector.broadcast %get3A_134 : vector<1x1024xf32> to vector<512x1024xf32>
    %min3A_137 = arith.minimumf %min3A_135, %min3A_136 : vector<512x1024xf32>
    %add3A_138 = arith.addf %add3A_128, %min3A_137 : vector<512x1024xf32>
    %add3A_139 = vector.broadcast %broadcast_in_dim3A : vector<512x1xf32> to vector<512x1024xf32>
    %add3A_140 = vector.broadcast %add3A_40 : vector<1x1024xf32> to vector<512x1024xf32>
    %add3A_141 = arith.addf %add3A_139, %add3A_140 : vector<512x1024xf32>
    %sub3A = arith.subf %add3A_141, %add3A_138 : vector<512x1024xf32>
    %sub3A_142 = arith.subf %sub3A, %add3A_138 : vector<512x1024xf32>
    %floor3A = math.floor %sub3A_142 : vector<512x1024xf32>
    %mul3A = arith.constant -1.38629436 : f32
    %mul3A_143 = vector.broadcast %mul3A : f32 to vector<512x1024xf32>
    %mul3A_144 = arith.mulf %floor3A, %mul3A_143 : vector<512x1024xf32>
    %add3A_145 = arith.constant -2.2314353 : f32
    %add3A_146 = vector.broadcast %add3A_145 : f32 to vector<512x1024xf32>
    %add3A_147 = arith.addf %mul3A_144, %add3A_146 : vector<512x1024xf32>
    %swap3A = arith.constant 0 : index
    %swap3A_148 = arith.constant 0 : index
    %swap3A_149 = vector.load %arg3[%swap3A, %swap3A_148] : memref<512x1024xf32, #tpu.memory_space<vmem>>, vector<512x1024xf32>
    tpu.vector_store %arg3[%swap3A, %swap3A_148], %add3A_147 {strides = array<i32>} : memref<512x1024xf32, #tpu.memory_space<vmem>>, vector<512x1024xf32>,
    return
  }
  func.func @transform_0(%arg0: i32) -> (i32, i32) {
    %add3A = arith.constant 1 : i32
    %add3A_0 = arith.addi %arg0, %add3A : i32
    %c0_i32 = arith.constant 0 : i32
    %c0_i32_1 = arith.constant 0 : i32
    return %add3A_0, %c0_i32 : i32, i32
  }
  func.func @transform_1(%arg0: i32) -> (i32, i32) {
    %c0_i32 = arith.constant 0 : i32
    %c0_i32_0 = arith.constant 0 : i32
    %c0_i32_1 = arith.constant 0 : i32
    return %c0_i32, %c0_i32_0 : i32, i32
  }
  func.func @transform_2(%arg0: i32) -> (i32, i32) {
    %add3A = arith.constant 1 : i32
    %add3A_0 = arith.addi %arg0, %add3A : i32
    %c0_i32 = arith.constant 0 : i32
    %c0_i32_1 = arith.constant 0 : i32
    return %add3A_0, %c0_i32 : i32, i32
  }
}

</mosaic_0001>

<sc_bundles>
// kernel: kernel.4.cloned.1.call-start
scs
__scs_entry_jumppad:
0x0: {  	(pc) =	sbr.rel $0x88, $3  }
0x1: {  	(tag) =	ssettag $0x0;
	lr =	simm.s32 $0x1  }
0x2: {  	[smem:$0x3F9F] =	sst lr;
	_ =	strace $0xD0000000  }
0x3: {  	_ = 	snop  }
0x4: {  	_ = 	snop  }
0x5: {  	_ = 	snop  }
0x6: {  	_ = 	snop  }
0x7: {  	_ = 	snop  }
__scs_overlays_trampoline_lowered:
0x8: {  	[smem:$0x3FAE] =	sst s0  }
0x9: {  	[smem:$0x3FAF] =	sst s1  }
0xa: {  	[smem:$0x3FB0] =	sst s2  }
0xb: {  	[smem:$0x3FB1] =	sst s3  }
0xc: {  	[smem:$0x3FB2] =	sst s4  }
0xd: {  	[smem:$0x3FB3] =	sst s5  }
0xe: {  	[smem:$0x3FB4] =	sst s6  }
0xf: {  	[smem:$0x3FB5] =	sst s7  }
0x10: {  	[smem:$0x3FB6] =	sst s8  }
0x11: {  	[smem:$0x3FB7] =	sst s9;
	s0 =	simm.s32 @!p0 $0x0  }
0x12: {  	s1 =	sld [smem:$0x3F9D];
	s0 =	simm.s32 @p0 $0x1  }
0x13: {  	[smem:$0x3FB8] =	sst s0;
	s0 =	simm.s32 @!p1 $0x0  }
0x14: {  	s2 =	sld [smem:$0x3F9C];
	s0 =	simm.s32 @p1 $0x1  }
0x15: {  	[smem:$0x3FB9] =	sst s0;
	s0 =	simm.s32 @!p2 $0x0  }
0x16: {  	s3 =	sld [smem:$0x3FDB];
	s0 =	simm.s32 @p2 $0x1  }
0x17: {  	s4 =	simm.s32 $0x1BF5;
	[smem:$0x3FBB] =	sst s0  }
0x18: {  	s0 =	sld [smem:$0x3F9E];
	_ =	swait.ge [sflag:s4], $0x0  }
0x19: {  	s7 =	sld [smem:$0x3F9F]  }
0x1a: {  	s8 =	sadd.s32 $0xFFFFE003, lr  }
0x1b: {  	s9 =	sadd.s32 $0xFFFFFEF7, lr;
	s5 =	simm.s32 $0xFFFFFFFF;
	p2 =	slt.u32 s8, $0xFFFFF086  }
0x1c: {  	p1 =	slt.u32 s9, $0xF7A;
	s5 =	simm.s32 @!p2 $0x0  }
0x1d: {  	s5 =	simm.s32 @p1 $0x1;
	p0 =	seq.s32 s7, s2  }
0x1e: {  	s7 =	smul.u32 @!p0 $0xF7A, s2;
	p2 =	seq.s32 @!p0 s5, $0x0  }
0x1f: {  	s9 =	smul.u32 $0xF7A, s1;
	s8 =	simm.s32 @!p0 $0x1BF5;
	p2 =	por !p2, p0  }
0x20: {  	[sflag:s8] =	ssyncset.s32 @!p0 $0xFFFFF086;
	s6 =	sadd.s32 @!p0 s3, s7;
	s7 =	simm.s32 @!p0 $0x108  }
0x21: {  	s3 =	sadd.s32 s3, s9;
	s6 =	sadd.s32 @!p0 $0x88, s6;
	s7 =	simm.s32 @p2 $0x1082  }
0x22: {  	[simem:s7], [sflag:s8] =	dma.local @!p0 [hbm:s6], $0xF7A  }
0x23: {  	s9 =	sor.u32 $0xD0000000, s2;
	s6 =	simm.s32 $0x108;
	_ =	swait.ge @!p0 [sflag:s8], $0x0  }
0x24: {  	s3 =	sadd.s32 $0x88, s3;
	s6 =	simm.s32 @!p1 $0x1082;
	[sflag:s4] =	ssyncset.s32 $0xFFFFF086  }
0x25: {  	[simem:s6], [sflag:s4] =	dma.local [hbm:s3], $0xF7A  }
0x26: {  	[smem:$0x3F9F] =	sst s1;
	(tag) =	ssettag s2;
	_ =	strace s9  }
0x27: {  	s1 =	sld [smem:$0x3FAF]  }
0x28: {  	s2 =	sld [smem:$0x3FB0]  }
0x29: {  	s4 =	sld [smem:$0x3FB2]  }
0x2a: {  	p0 =	seq.s32 s5, $0x0;
	s5 =	sld [smem:$0x3FB3]  }
0x2b: {  	s6 =	sld [smem:$0x3FB4]  }
0x2c: {  	s7 =	sld [smem:$0x3FB5]  }
0x2d: {  	s3 =	simm.s32 $0x108;
	s8 =	sld [smem:$0x3FB6]  }
0x2e: {  	s3 =	simm.s32 @!p0 $0x1082;
	s9 =	sld [smem:$0x3FB7]  }
0x2f: {  	lr =	sadd.s32 s0, s3;
	s0 =	sld [smem:$0x3FAE]  }
0x30: {  	s3 =	sld [smem:$0x3FB1]  }
0x31: {  	[smem:$0x3FBA] =	sst s10  }
0x32: {  	s10 =	sld [smem:$0x3FB8];
	_ =	sdelay $0x3  }
0x33: {  	p0 =	seq.s32 s10, $0x1;
	s10 =	sld [smem:$0x3FBA];
	_ =	sdelay $0x3  }
0x34: {  	[smem:$0x3FBA] =	sst s10  }
0x35: {  	s10 =	sld [smem:$0x3FB9];
	_ =	sdelay $0x3  }
0x36: {  	p1 =	seq.s32 s10, $0x1;
	s10 =	sld [smem:$0x3FBA];
	_ =	sdelay $0x3  }
0x37: {  	[smem:$0x3FBA] =	sst s10  }
0x38: {  	s10 =	sld [smem:$0x3FBB]  }
0x39: {  	_ = 	snop;
	(pc) =	sbr.ind lr, $3  }
0x3a: {  	_ = 	snop  }
0x3b: {  	_ = 	snop  }
0x3c: {  	p2 =	seq.s32 s10, $0x1;
	s10 =	sld [smem:$0x3FBA]  }
0x3d: {  	_ =	shalt  }
0x3e: {  	_ =	shalt  }
0x3f: {  	_ =	shalt  }
0x40: {  	_ =	shalt  }
0x41: {  	_ =	shalt  }
0x42: {  	_ =	shalt  }
0x43: {  	_ =	shalt  }
0x44: {  	_ =	shalt  }
0x45: {  	_ =	shalt  }
0x46: {  	_ =	shalt  }
0x47: {  	_ =	shalt  }
0x48: {  	_ =	shalt  }
0x49: {  	_ =	shalt  }
0x4a: {  	_ =	shalt  }
0x4b: {  	_ =	shalt  }
0x4c: {  	_ =	shalt  }
0x4d: {  	_ =	shalt  }
0x4e: {  	_ =	shalt  }
0x4f: {  	_ =	shalt  }
0x50: {  	_ =	shalt  }
0x51: {  	_ =	shalt  }
0x52: {  	_ =	shalt  }
0x53: {  	_ =	shalt  }
0x54: {  	_ =	shalt  }
0x55: {  	_ =	shalt  }
0x56: {  	_ =	shalt  }
0x57: {  	_ =	shalt  }
0x58: {  	_ =	shalt  }
0x59: {  	_ =	shalt  }
0x5a: {  	_ =	shalt  }
0x5b: {  	_ =	shalt  }
0x5c: {  	_ =	shalt  }
0x5d: {  	_ =	shalt  }
0x5e: {  	_ =	shalt  }
0x5f: {  	_ =	shalt  }
0x60: {  	_ =	shalt  }
0x61: {  	_ =	shalt  }
0x62: {  	_ =	shalt  }
0x63: {  	_ =	shalt  }
0x64: {  	_ =	shalt  }
0x65: {  	_ =	shalt  }
0x66: {  	_ =	shalt  }
0x67: {  	_ =	shalt  }
0x68: {  	_ =	shalt  }
0x69: {  	_ =	shalt  }
0x6a: {  	_ =	shalt  }
0x6b: {  	_ =	shalt  }
0x6c: {  	_ =	shalt  }
0x6d: {  	_ =	shalt  }
0x6e: {  	_ =	shalt  }
0x6f: {  	_ =	shalt  }
0x70: {  	_ =	shalt  }
0x71: {  	_ =	shalt  }
0x72: {  	_ =	shalt  }
0x73: {  	_ =	shalt  }
0x74: {  	_ =	shalt  }
0x75: {  	_ =	shalt  }
0x76: {  	_ =	shalt  }
0x77: {  	_ =	shalt  }
0x78: {  	_ =	shalt  }
0x79: {  	_ =	shalt  }
0x7a: {  	_ =	shalt  }
0x7b: {  	_ =	shalt  }
0x7c: {  	_ =	shalt  }
0x7d: {  	_ =	shalt  }
0x7e: {  	_ =	shalt  }
0x7f: {  	_ =	shalt  }
0x80: {  	_ =	shalt  }
0x81: {  	_ =	shalt  }
0x82: {  	_ =	shalt  }
0x83: {  	_ =	shalt  }
0x84: {  	_ =	shalt  }
0x85: {  	_ =	shalt  }
0x86: {  	_ =	shalt  }
0x87: {  	_ =	shalt  }
.Lfunc_end0:
.L_simem_size_0:
called_computation_lowered:
.L_overlay_start_0:
0x88: {  	s2 =	sld [smem:$0x3FD9]  }
0x89: {  	s3 =	sld [smem:$0x3FFE];
	_ =	sdelay $0x1  }
0x8a: {  	s1 =	srdreg.scid  }
0x8b: {  	s0 =	sand.u32 $0x1, s1  }
0x8c: {  	s16 =	sshll.u32 s0, $0xA;
	s2 =	sadd.s32 s3, s2  }
0x8d: {  	s2 =	sadd.s32 s2, s16  }
0x8e: {  	[smem:$0x3FC6] =	sst s2  }
0x8f: {  	_ = 	snop  }
0x90: {  	(tm) =	ssettm $0x1  }
0x91: {  	s17 =	sld [smem:$0x3FFB];
	_ =	sdelay $0x3  }
0x92: {  	_ =	strace s17  }
0x93: {  	s2 =	sld [smem:$0x3FFC];
	_ =	sdelay $0x3  }
0x94: {  	_ =	strace s2  }
0x95: {  	s2 =	sld [smem:$0x3FFD];
	_ =	sdelay $0x3  }
0x96: {  	_ =	strace s2  }
0x97: {  	_ =	strace $0x8FFFFFFF  }
0x98: {  	s18 =	sld [smem:$0x3FDB];
	_ =	sdelay $0x1  }
0x99: {  	s19 =	simm.s32 $_scs_section_size  }
0x9a: {  	s4 =	simm.s32 $_size__tile_overlayer_lowered;
	s5 =	simm.s32 $_tile_overlayer_lowered  }
0x9b: {  	s22 =	simm.s32 $0x1BFF;
	s21 =	sshll.u32 s5, $0x1;
	s2 =	sadd.s32 s19, s18  }
0x9c: {  	s6 =	simm.s32 $0x0;
	s20 =	sshll.u32 s4, $0x1;
	s4 =	sadd.s32 s21, s2  }
0x9d: {  	[timem:s6], [sflag:s22] =	dma.local [hbm:s4], s20  }
0x9e: {  	_ =	swait.ge [sflag:s22], s20  }
0x9f: {  	s3 =	ssub.s32 $0x0, s20;
	[sflag:s22] =	ssyncset.done $0x0  }
0xa0: {  	[sflag:s22] =	ssyncadd.s32 s3;
	_ =	sdelay $0x1  }
0xa1: {  	s23 =	simm.s32 $0x1B8B  }
0xa2: {  	_ =	swait.ge [sflag:s23], $0x1  }
0xa3: {  	[sflag:s23] =	ssyncset.done $0x0  }
0xa4: {  	s25 =	simm.s32 $0x1B8E;
	s24 =	sld [smem:$0x3FFE];
	[sflag:s23] =	ssyncadd.s32 $0xFFFFFFFF  }
0xa5: {  	s26 =	simm.s32 $execute0_lowered;
	[smem:$0x3FD2] =	sst s25  }
0xa6: {  	s4 =	sshll.u32 s26, $0x1;
	_ =	strace $0x80000046;
	[dreg:$0x1] =	wrdreg $0xFFFFFFFF  }
0xa7: {  	s28 =	simm.s32 $_size_execute0_lowered;
	s2 =	sadd.s32 s2, s4;
	[dreg:$0x0] =	wrdreg $0x0  }
0xa8: {  	s4 =	sshll.u32 s28, $0x1;
	[dreg:$0x2] =	wrdreg s2  }
0xa9: {  	[dreg:$0x3] =	wrdreg s4  }
0xaa: {  	[dreg:$0x4] =	wrdreg $0xC0  }
0xab: {  	_ =	task [dreg:s6], $0x5FFFF  }
0xac: {  	[dreg:$0x1] =	wrdreg $0xFFFFFFFF  }
0xad: {  	[dreg:$0x0] =	wrdreg $0x60  }
0xae: {  	[dreg:$0x2] =	wrdreg s24  }
0xaf: {  	[dreg:$0x3] =	wrdreg $0x9  }
0xb0: {  	_ =	task.clear_ibuf [dreg:s6], $0x4FFFF;
	_ =	strace $0x90000046  }
0xb1: {  	s29 =	simm.s32 $0x9;
	_ =	strace $0x80000048  }
0xb2: {  	_ =	swait.ge [sflag:s29], $0x1  }
0xb3: {  	[sflag:s29] =	ssyncadd.s32 $0xFFFFFFFF  }
0xb4: {  	_ =	strace $0x90000048  }
0xb5: {  	_ =	sfence  }
0xb6: {  	s30 =	sld [smem:$0x0];
	_ =	sdelay $0x2  }
0xb7: {  	s31 =	sshll.u32 s1, $0xD;
	s1 =	sshrl.u32 s1, $0x2  }
0xb8: {  	s3 =	sand.u32 $0x4000, s31;
	s1 =	sadd.s32 s1, s30  }
0xb9: {  	s0 =	sor.u32 s3, s0;
	s1 =	sshll.u32 s1, $0x11  }
0xba: {  	s0 =	sor.u32 s1, s0  }
0xbb: {  	s0 =	sadd.s32 $0x8F2B, s0  }
0xbc: {  	[sflag:s0] =	ssyncadd.remote.s32 $0x1  }
0xbd: {  	_ =	sfence.sel $0xFFFF  }
0xbe: {  	[dreg:$0x0] =	wrdreg $0xFFFFFFFF;
	(pc) =	sbr.abs _section_cstart, $3  }
0xbf: {  	[dreg:$0x1] =	wrdreg $0xFFFFFFFF  }
0xc0: {  	_ =	task.clear_ibuf [dreg:s6], $0x2FFFF;
	_ =	strace $0x9FFFFFFF  }
0xc1: {  	(tm) =	ssettm $0x7FFFFFFF  }
tec
execute0_lowered:
.L_overlay_start_1:
0x0: {  	(tag) =	ssettag $0x1  }
0x1: {  	s3 =	rddreg [dreg:$0x0];
	s0 =	srdreg.scid  }
0x2: {  	s4 =	simm.s32 $0x0;
	s1 =	stileid.u32;
	s0 =	sand.u32 $0x1, s0  }
0x3: {  	s1 =	sshll.u32 s1, $0x5;
	s2 =	sshll.u32 s0, $0x4;
	s0 =	ssub.s32 $0x2, s0  }
0x4: {  	[smem:$0x7FF] =	sst s4;
	s1 =	sor.u32 s2, s1;
	s20 =	sshrl.u32 s0, $0x1  }
0x5: {  	s2 =	sshll.u32 s1, $0x8;
	s1 =	sshll.u32 s1, $0x7;
	s0 =	ssub.s32 s0, s20  }
0x6: {  	_ =	strace $0x80000047;
	s1 =	sadd.s32 s1, s3;
	s0 =	smax.u32 s0, $0x1  }
0x7: {  	s2 =	sadd.s32 s2, s3;
	s1 =	sadd.s32 $0x20800, s1;
	[dreg:$0xe] =	wrdreg s0  }
0x8: {  	s2 =	sadd.s32 $0x800, s2;
	[dreg:$0xd] =	wrdreg s1  }
0x9: {  	s21 =	sadd.s32 $0x100, s2;
	[dreg:$0xc] =	wrdreg s2  }
0xa: {  	s22 =	sadd.s32 $0x200, s2;
	[dreg:$0xf] =	wrdreg s21  }
0xb: {  	s23 =	sadd.s32 $0x300, s2;
	[dreg:$0x10] =	wrdreg s22  }
0xc: {  	s24 =	sadd.s32 $0x400, s2;
	[dreg:$0x11] =	wrdreg s23  }
0xd: {  	s25 =	sadd.s32 $0x500, s2;
	[dreg:$0x12] =	wrdreg s24  }
0xe: {  	s26 =	sadd.s32 $0x600, s2;
	[dreg:$0x13] =	wrdreg s25  }
0xf: {  	s28 =	sadd.s32 $0x700, s2;
	[dreg:$0x14] =	wrdreg s26  }
0x10: {  	s29 =	sadd.s32 $0x800, s2;
	[dreg:$0x15] =	wrdreg s28  }
0x11: {  	s30 =	sadd.s32 $0x900, s2;
	[dreg:$0x16] =	wrdreg s29  }
0x12: {  	s31 =	sadd.s32 $0xA00, s2;
	[dreg:$0x17] =	wrdreg s30  }
0x13: {  	s3 =	simm.s32 $0x1;
	s1 =	simm.s32 $0x0;
	[dreg:$0x18] =	wrdreg s31  }
.LBB2_1:
0x14: {  	[dreg:$0x19] =	wrdreg s1  }
0x15: {  	s0 =	rddreg [dreg:$0x0]  }
0x16: {  	[tilespmem:s4], [sflag:$0x1] =	stream.linear.gather [hbm4b:s0+s4], $0x4000, $0x38;
	[tilespmem:$0x10000] =	vst v63  }
0x17: {  	_ =	swait.ge [sflag:s3], $0x4000  }
0x18: {  	[sflag:s3] =	ssyncset.done $0x0  }
0x19: {  	s28 =	simm.s32 $0x4000;
	s1 =	rddreg [dreg:$0xc];
	[sflag:s3] =	ssyncadd.s32 $0xFFFFC000  }
0x1a: {  	[tilespmem:s28], [sflag:$0x1] =	stream.linear.gather [hbm4b:s1+s4], $0x580, $0x38;
	[tilespmem:$0x10000] =	vst v63  }
0x1b: {  	s2 =	simm.s32 $0x4800;
	s29 =	rddreg [dreg:$0xf]  }
0x1c: {  	[tilespmem:s2], [sflag:$0x1] =	stream.linear.gather [hbm4b:s29+s4], $0x580, $0x38;
	[tilespmem:$0x10000] =	vst v63  }
0x1d: {  	s31 =	simm.s32 $0x5000;
	s30 =	rddreg [dreg:$0x10]  }
0x1e: {  	[tilespmem:s31], [sflag:$0x1] =	stream.linear.gather [hbm4b:s30+s4], $0x580, $0x38;
	[tilespmem:$0x10000] =	vst v63  }
0x1f: {  	s6 =	simm.s32 $0x5800;
	s5 =	rddreg [dreg:$0x11]  }
0x20: {  	[tilespmem:s6], [sflag:$0x1] =	stream.linear.gather [hbm4b:s5+s4], $0x580, $0x38;
	[tilespmem:$0x10000] =	vst v63  }
0x21: {  	s8 =	simm.s32 $0x6000;
	s7 =	rddreg [dreg:$0x12]  }
0x22: {  	[tilespmem:s8], [sflag:$0x1] =	stream.linear.gather [hbm4b:s7+s4], $0x580, $0x38;
	[tilespmem:$0x10000] =	vst v63  }
0x23: {  	s10 =	simm.s32 $0x6800;
	s9 =	rddreg [dreg:$0x13]  }
0x24: {  	[tilespmem:s10], [sflag:$0x1] =	stream.linear.gather [hbm4b:s9+s4], $0x580, $0x38;
	[tilespmem:$0x10000] =	vst v63  }
0x25: {  	s12 =	simm.s32 $0x7000;
	s11 =	rddreg [dreg:$0x14]  }
0x26: {  	[tilespmem:s12], [sflag:$0x1] =	stream.linear.gather [hbm4b:s11+s4], $0x580, $0x38;
	[tilespmem:$0x10000] =	vst v63  }
0x27: {  	s14 =	simm.s32 $0x7800;
	s13 =	rddreg [dreg:$0x15]  }
0x28: {  	[tilespmem:s14], [sflag:$0x1] =	stream.linear.gather [hbm4b:s13+s4], $0x580, $0x38;
	[tilespmem:$0x10000] =	vst v63  }
0x29: {  	s16 =	simm.s32 $0x8000;
	s15 =	rddreg [dreg:$0x16]  }
0x2a: {  	[tilespmem:s16], [sflag:$0x1] =	stream.linear.gather [hbm4b:s15+s4], $0x580, $0x38;
	[tilespmem:$0x10000] =	vst v63  }
0x2b: {  	s18 =	simm.s32 $0x8800;
	s17 =	rddreg [dreg:$0x17]  }
0x2c: {  	[tilespmem:s18], [sflag:$0x1] =	stream.linear.gather [hbm4b:s17+s4], $0x580, $0x38;
	[tilespmem:$0x10000] =	vst v63  }
0x2d: {  	s20 =	simm.s32 $0x9000;
	s19 =	rddreg [dreg:$0x18]  }
0x2e: {  	[tilespmem:s20], [sflag:$0x1] =	stream.linear.gather [hbm4b:s19+s4], $0x580, $0x38;
	[tilespmem:$0x10000] =	vst v63  }
0x2f: {  	s22 =	simm.s32 $0x9800;
	s21 =	sadd.s32 $0xB00, s1  }
0x30: {  	[tilespmem:s22], [sflag:$0x1] =	stream.linear.gather [hbm4b:s21+s4], $0x580, $0x38;
	[tilespmem:$0x10000] =	vst v63  }
0x31: {  	s24 =	simm.s32 $0xA000;
	s23 =	sadd.s32 $0xC00, s1  }
0x32: {  	[tilespmem:s24], [sflag:$0x1] =	stream.linear.gather [hbm4b:s23+s4], $0x580, $0x38;
	[tilespmem:$0x10000] =	vst v63  }
0x33: {  	s26 =	simm.s32 $0xA800;
	s25 =	sadd.s32 $0xD00, s1  }
0x34: {  	[tilespmem:s26], [sflag:$0x1] =	stream.linear.gather [hbm4b:s25+s4], $0x580, $0x38;
	[tilespmem:$0x10000] =	vst v63  }
0x35: {  	s28 =	sadd.s32 $0xE00, s1;
	s29 =	simm.s32 $0xB000  }
0x36: {  	[tilespmem:s29], [sflag:$0x1] =	stream.linear.gather [hbm4b:s28+s4], $0x580, $0x38;
	[tilespmem:$0x10000] =	vst v63  }
0x37: {  	s30 =	sadd.s32 $0xF00, s1;
	s31 =	simm.s32 $0xB800  }
0x38: {  	[tilespmem:s31], [sflag:$0x1] =	stream.linear.gather [hbm4b:s30+s4], $0x580, $0x38;
	[tilespmem:$0x10000] =	vst v63  }
0x39: {  	_ =	swait.ge [sflag:s3], $0x5800  }
0x3a: {  	[sflag:s3] =	ssyncset.done $0x0  }
0x3b: {  	s4 =	simm.s32 $0x0;
	[sflag:s3] =	ssyncadd.s32 $0xFFFFA800  }
.LBB2_2:
0x3c: {  	s0 =	sshll.u32 s4, $0xC  }
0x3d: {  	s0 =	sand.u32 $0x3FFFF000, s0  }
0x3e: {  	v0 =	vld [tilespmem:s0+$0x4000]  }
0x3f: {  	v1 =	vld [tilespmem:s0+$0x4080]  }
0x40: {  	v2 =	vld [tilespmem:s0+$0x4100]  }
0x41: {  	v3 =	vld [tilespmem:s0+$0x4180]  }
0x42: {  	v4 =	vld [tilespmem:s0+$0x4200]  }
0x43: {  	v5 =	vld [tilespmem:s0+$0x4280]  }
0x44: {  	v6 =	vld [tilespmem:s0+$0x4300]  }
0x45: {  	v7 =	vld [tilespmem:s0+$0x4380]  }
0x46: {  	s1 =	sshllo.u32 s4, $0x1;
	v8 =	vld [tilespmem:s0+$0x4400]  }
0x47: {  	s2 =	sshll.u32 s1, $0xB;
	v9 =	vld [tilespmem:s0+$0x4480]  }
0x48: {  	v10 =	vld [tilespmem:s0+$0x4500];
	s3 =	sand.u32 $0x3FFFF800, s2  }
0x49: {  	v11 =	vld [tilespmem:s3+$0x4000]  }
0x4a: {  	s26 =	sshll.u32 s4, $0xB;
	[dreg:$0x1a] =	wrdreg s4;
	v12 =	vld [tilespmem:s3+$0x4080]  }
0x4b: {  	s28 =	sshll.u32 s4, $0x8;
	p0 =	por $0x0, $0x0;
	s5 =	simm.s32 $0x1;
	v13 =	vld [tilespmem:s3+$0x4100]  }
0x4c: {  	s29 =	sshll.u32 s1, $0x7;
	s1 =	simm.s32 $0x0;
	s5 =	simm.s32 @!p0 $0x0;
	v14 =	vld [tilespmem:s3+$0x4180]  }
0x4d: {  	s0 =	sand.u32 $0x2000, s26;
	s2 =	sand.u32 $0x300, s28;
	s5 =	sshll.u32 s5, $0x6;
	v15 =	vld [tilespmem:s3+$0x4200]  }
0x4e: {  	[dreg:$0x3] =	wrdreg s2;
	s0 =	sor.u32 $0xC000, s0;
	v16 =	vld [tilespmem:s3+$0x4280];
	s6 =	sadd.s32 $0x0, s5  }
0x4f: {  	v17 =	vld [tilespmem:s3+$0x4300];
	s2 =	sand.u32 $0x380, s29;
	[dreg:$0x2] =	wrdreg s0;
	s8 =	sadd.s32 $0x30, s6  }
0x50: {  	v18 =	vld [tilespmem:s3+$0x4380];
	s0 =	simm.s32 $0x0;
	[dreg:$0x4] =	wrdreg s2;
	s9 =	sor.u32 $0x200, s8  }
0x51: {  	s29 =	sand.u32 $0x1C00, s1;
	s22 =	sand.u32 $0x40, s0;
	s2 =	sor.u32 $0x380, s8;
	v28 =	vld [tilespmem:s9+$0x0]  }
0x52: {  	s9 =	sor.u32 s22, s29;
	v35 =	vld [tilespmem:s2+$0x0]  }
0x53: {  	v31 =	vld [tilespmem:s9+$0x0]  }
0x54: {  	s20 =	sor.u32 $0x30, s22;
	v53 =	vld [tilespmem:s9+$0x80]  }
0x55: {  	s30 =	sor.u32 s20, s29;
	v45 =	vld [tilespmem:s9+$0x180]  }
0x56: {  	s24 =	sor.u32 $0x10, s22;
	v19 =	vld [tilespmem:s30+$0x0]  }
0x57: {  	s31 =	sor.u32 s24, s29;
	v20 =	vld [tilespmem:s30+$0x80]  }
0x58: {  	v21 =	vld [tilespmem:s31+$0x0]  }
0x59: {  	v22 =	vld [tilespmem:s30+$0x100]  }
0x5a: {  	v23 =	vld [tilespmem:s31+$0x80];
	v33 =	vmin.f32 v4, v28  }
0x5b: {  	s26 =	sor.u32 $0x20, s22;
	v58 =	vld [tilespmem:s31+$0x100];
	v28 =	vmin.f32 v15, v28;
	v40 =	vmin.f32 v7, v35;
	v35 =	vmin.f32 v18, v35  }
0x5c: {  	s17 =	sadd.s32 $0x20, s6;
	s7 =	sor.u32 s26, s29;
	v24 =	vld [tilespmem:s30+$0x180];
	v56 =	vmin.f32 v0, v31;
	v57 =	vmin.f32 v1, v53;
	v31 =	vmin.f32 v11, v31  }
0x5d: {  	s18 =	sor.u32 $0x200, s17;
	v25 =	vld [tilespmem:s7+$0x0];
	v50 =	vmin.f32 v3, v45;
	v52 =	vmin.f32 v14, v45;
	v26 =	vmin.f32 v0, v19  }
0x5e: {  	v47 =	vld [tilespmem:s18+$0x0];
	v27 =	vmin.f32 v1, v20;
	v19 =	vmin.f32 v11, v19;
	v20 =	vmin.f32 v12, v20  }
0x5f: {  	v61 =	vld [tilespmem:s31+$0x180];
	s30 =	sor.u32 $0x300, s17;
	v29 =	vmin.f32 v2, v22;
	v30 =	vmin.f32 v0, v21;
	v22 =	vmin.f32 v13, v22  }
0x60: {  	v62 =	vmin.f32 v2, v58;
	v63 =	vmin.f32 v13, v58;
	v58 =	vld [tilespmem:s30+$0x0];
	v26 =	vadd.f32 v27, v26  }
0x61: {  	s15 =	sadd.s32 $0x10, s6;
	s10 =	sor.u32 $0x280, s8;
	v32 =	vmin.f32 v3, v24;
	v24 =	vmin.f32 v14, v24;
	v27 =	vld [tilespmem:s7+$0x80];
	v19 =	vadd.f32 v20, v19  }
0x62: {  	s21 =	sor.u32 $0x280, s15;
	v34 =	vmin.f32 v0, v25;
	v20 =	vld [tilespmem:s10+$0x0];
	v26 =	vadd.f32 v29, v26;
	v29 =	vmin.f32 v1, v23  }
0x63: {  	s2 =	sor.u32 $0x2100, s29;
	v51 =	vld [tilespmem:s21+$0x0];
	v19 =	vadd.f32 v22, v19;
	v22 =	vmin.f32 v11, v21;
	v23 =	vmin.f32 v12, v23  }
0x64: {  	s14 =	sor.u32 s20, s2;
	v60 =	vld [tilespmem:s9+$0x100];
	v25 =	vmin.f32 v11, v25;
	v29 =	vadd.f32 v29, v30;
	v59 =	vadd.f32 v23, v22  }
0x65: {  	s13 =	sor.u32 $0x2080, s29;
	s11 =	sor.u32 $0x300, s8;
	v39 =	vld [tilespmem:s14+$0x0];
	v48 =	vmin.f32 v3, v61;
	v26 =	vadd.f32 v32, v26;
	v24 =	vadd.f32 v24, v19  }
0x66: {  	s10 =	sor.u32 s20, s13;
	v21 =	vld [tilespmem:s11+$0x0];
	v32 =	vmin.f32 v12, v53;
	v45 =	vmin.f32 v6, v58;
	v54 =	vmin.f32 v1, v27  }
0x67: {  	s8 =	sor.u32 $0x2000, s29;
	v38 =	vld [tilespmem:s10+$0x0];
	v36 =	vmin.f32 v5, v20;
	v55 =	vmin.f32 v16, v20;
	v31 =	vadd.f32 v32, v31  }
0x68: {  	s12 =	sor.u32 s20, s8;
	v19 =	vld [tilespmem:s3+$0x4400];
	v27 =	vmin.f32 v12, v27;
	v29 =	vadd.f32 v62, v29;
	v46 =	vadd.f32 v63, v59  }
0x69: {  	v26 =	vadd.f32 v33, v26;
	v24 =	vadd.f32 v28, v24;
	v28 =	vld [tilespmem:s12+$0x0];
	v33 =	vmin.f32 v13, v60  }
0x6a: {  	v20 =	vld [tilespmem:s3+$0x4480];
	v59 =	vmin.f32 v5, v51;
	v25 =	vadd.f32 v27, v25;
	v31 =	vadd.f32 v33, v31  }
0x6b: {  	s25 =	sor.u32 $0x280, s6;
	v27 =	vld [tilespmem:s7+$0x180];
	v37 =	vmin.f32 v6, v21;
	v29 =	vadd.f32 v48, v29;
	v26 =	vadd.f32 v36, v26  }
0x6c: {  	s28 =	sor.u32 $0x300, s15;
	v21 =	vmin.f32 v17, v21;
	v24 =	vadd.f32 v55, v24;
	v36 =	vadd.f32 v57, v56;
	v55 =	vld [tilespmem:s25+$0x0]  }
0x6d: {  	v56 =	vmin.f32 v4, v47;
	v57 =	vld [tilespmem:s28+$0x0];
	v31 =	vadd.f32 v52, v31;
	v26 =	vadd.f32 v37, v26  }
0x6e: {  	s23 =	sor.u32 $0x280, s17;
	v24 =	vadd.f32 v21, v24;
	v21 =	vld [tilespmem:s3+$0x4500];
	v30 =	vmin.f32 v8, v28;
	v23 =	vmin.f32 v19, v28  }
0x6f: {  	s3 =	sor.u32 $0x380, s15;
	v28 =	vadd.f32 v54, v34;
	v34 =	vmin.f32 v14, v61;
	v54 =	vld [tilespmem:s23+$0x0];
	v26 =	vadd.f32 v40, v26  }
0x70: {  	v49 =	vmin.f32 v3, v27;
	v27 =	vmin.f32 v14, v27;
	v63 =	vld [tilespmem:s3+$0x0];
	v24 =	vadd.f32 v35, v24  }
0x71: {  	v32 =	vadd.f32 v34, v46;
	v35 =	vmin.f32 v15, v47;
	v22 =	vadd.f32 v30, v26;
	v26 =	vld [tilespmem:s7+$0x100]  }
0x72: {  	v34 =	vmin.f32 v16, v55;
	v30 =	vmin.f32 v9, v38;
	v23 =	vadd.f32 v23, v24  }
0x73: {  	v24 =	vadd.f32 v39, v10;
	s7 =	sor.u32 s24, s8;
	v22 =	vadd.f32 v30, v22;
	v30 =	vmin.f32 v20, v38  }
0x74: {  	s0 =	sor.u32 s1, s0;
	v42 =	vmin.f32 v6, v57;
	v46 =	vld [tilespmem:s7+$0x0];
	v30 =	vadd.f32 v30, v23;
	v23 =	vadd.f32 v39, v21  }
0x75: {  	s0 =	sor.u32 $0x380, s0;
	v61 =	vmin.f32 v5, v54;
	v62 =	vmin.f32 v16, v54;
	v24 =	vsub.f32 v24, v22  }
0x76: {  	v43 =	vld [tilespmem:s0+$0x0];
	s10 =	sor.u32 s22, s8;
	v47 =	vmin.f32 v7, v63;
	v44 =	vsub.f32 v23, v30;
	v41 =	vmin.f32 v2, v26  }
0x77: {  	s16 =	sor.u32 $0x200, s15;
	v48 =	vld [tilespmem:s10+$0x0];
	v26 =	vmin.f32 v13, v26;
	v23 =	vsub.f32 v24, v22;
	v28 =	vadd.f32 v41, v28  }
0x78: {  	s19 =	sor.u32 $0x200, s6;
	v24 =	vld [tilespmem:s16+$0x0];
	v25 =	vadd.f32 v26, v25;
	v22 =	vsub.f32 v44, v30;
	v30 =	vmin.f32 v2, v60  }
0x79: {  	v26 =	vld [tilespmem:s19+$0x0];
	v54 =	vmin.f32 v8, v46;
	v30 =	vadd.f32 v30, v36;
	v28 =	vadd.f32 v49, v28  }
0x7a: {  	v25 =	vadd.f32 v27, v25;
	v49 =	vmin.f32 v18, v63;
	v23 =	vtrunc.f32 v23  }
0x7b: {  	v36 =	vmin.f32 v18, v43;
	v23 =	vcvt.f32.s32 v23;
	v30 =	vadd.f32 v50, v30  }
0x7c: {  	s31 =	sor.u32 $0x300, s6;
	v22 =	vtrunc.f32 v22;
	v28 =	vadd.f32 v56, v28;
	v25 =	vadd.f32 v35, v25  }
0x7d: {  	s11 =	sor.u32 s24, s13;
	v60 =	vld [tilespmem:s31+$0x0];
	v50 =	vmin.f32 v7, v43;
	v56 =	vmin.f32 v8, v48;
	v22 =	vcvt.f32.s32 v22  }
0x7e: {  	v52 =	vld [tilespmem:s11+$0x0];
	v53 =	vmin.f32 v4, v24;
	v24 =	vmin.f32 v15, v24;
	v27 =	vmin.f32 v4, v26  }
0x7f: {  	v26 =	vmin.f32 v15, v26;
	v29 =	vadd.f32 v53, v29;
	v24 =	vadd.f32 v24, v32  }
0x80: {  	v23 =	vcvt.s32.f32 v23;
	v27 =	vadd.f32 v27, v30;
	v26 =	vadd.f32 v26, v31  }
0x81: {  	v30 =	vmin.f32 v16, v51;
	v31 =	vmin.f32 v5, v55;
	v28 =	vadd.f32 v61, v28  }
0x82: {  	s14 =	sor.u32 s24, s2;
	v25 =	vadd.f32 v62, v25;
	v44 =	vmin.f32 v6, v60;
	v32 =	vmin.f32 v17, v58  }
0x83: {  	s16 =	sor.u32 s22, s2;
	v35 =	vmin.f32 v17, v60;
	v55 =	vmin.f32 v19, v46;
	v58 =	vld [tilespmem:s14+$0x0];
	v60 =	vmin.f32 v20, v52  }
0x84: {  	s12 =	sor.u32 s26, s13;
	v61 =	vld [tilespmem:s16+$0x0];
	v22 =	vcvt.s32.f32 v22;
	v29 =	vadd.f32 v59, v29;
	v24 =	vadd.f32 v30, v24  }
0x85: {  	s6 =	sor.u32 $0x380, s17;
	v53 =	vld [tilespmem:s12+$0x0];
	v23 =	vmul.f32 $1.386294360e+00, v23;
	v27 =	vadd.f32 v31, v27;
	v26 =	vadd.f32 v34, v26  }
0x86: {  	s16 =	simm.s32 $0x40;
	v30 =	vld [tilespmem:s6+$0x0];
	v31 =	vmin.f32 v17, v57;
	v28 =	vadd.f32 v45, v28;
	v25 =	vadd.f32 v32, v25  }
0x87: {  	s4 =	simm.s32 $0x1;
	s18 =	simm.s32 $0x200;
	s0 =	sand.u32 $0x40, s16;
	v32 =	vmin.f32 v19, v48;
	v29 =	vadd.f32 v42, v29;
	v24 =	vadd.f32 v31, v24  }
0x88: {  	s9 =	sor.u32 s26, s8;
	s30 =	sand.u32 $0x1C00, s18;
	v59 =	vmin.f32 v9, v52;
	s8 =	sor.u32 $0x10, s0;
	v27 =	vadd.f32 v44, v27;
	v26 =	vadd.f32 v35, v26  }
0x89: {  	p0 =	por !p0, !p0;
	v22 =	vmul.f32 $1.386294360e+00, v22;
	s1 =	sor.u32 $0x30, s0;
	s19 =	sor.u32 s8, s30;
	v31 =	vld [tilespmem:s9+$0x0];
	v40 =	vadd.f32 v58, v21;
	v42 =	vadd.f32 v61, v10  }
0x8a: {  	s4 =	simm.s32 @!p0 $0x0;
	s17 =	sor.u32 s1, s30;
	v45 =	vld [tilespmem:s19+$0x0];
	v63 =	vmin.f32 v9, v53;
	v43 =	vadd.f32 v61, v21;
	v29 =	vadd.f32 v47, v29  }
0x8b: {  	s4 =	sshll.u32 s4, $0x6;
	v24 =	vadd.f32 v49, v24;
	v27 =	vadd.f32 v50, v27;
	v47 =	vld [tilespmem:s17+$0x100];
	v51 =	vmin.f32 v7, v30  }
0x8c: {  	s13 =	sor.u32 s22, s13;
	s10 =	sor.u32 $0x20, s0;
	s6 =	sadd.s32 $0x200, s4;
	v26 =	vadd.f32 v36, v26;
	v49 =	vld [tilespmem:s19+$0x80];
	v30 =	vmin.f32 v18, v30;
	v28 =	vadd.f32 v51, v28  }
0x8d: {  	s21 =	sor.u32 s10, s30;
	s23 =	sadd.s32 $0x30, s6;
	v33 =	vmin.f32 v20, v53;
	v25 =	vadd.f32 v30, v25;
	v30 =	vld [tilespmem:s13+$0x0];
	v29 =	vadd.f32 v54, v29  }
0x8e: {  	s25 =	sor.u32 $0x200, s23;
	v24 =	vadd.f32 v55, v24;
	v27 =	vadd.f32 v56, v27;
	v55 =	vld [tilespmem:s21+$0x80];
	v57 =	vmin.f32 v8, v31  }
0x8f: {  	s15 =	sor.u32 s26, s2;
	v26 =	vadd.f32 v32, v26;
	v54 =	vld [tilespmem:s25+$0x0];
	v31 =	vmin.f32 v19, v31;
	v28 =	vadd.f32 v57, v28  }
0x90: {  	v39 =	vmin.f32 v0, v45;
	v25 =	vadd.f32 v31, v25;
	v31 =	vld [tilespmem:s15+$0x0];
	v24 =	vadd.f32 v60, v24  }
0x91: {  	s12 =	sor.u32 $0x300, s23;
	v50 =	vld [tilespmem:s17+$0x180];
	v29 =	vadd.f32 v59, v29;
	v56 =	vmin.f32 v2, v47;
	v28 =	vadd.f32 v63, v28  }
0x92: {  	v59 =	vld [tilespmem:s12+$0x0];
	v25 =	vadd.f32 v33, v25;
	v32 =	vsub.f32 v40, v24;
	v62 =	vmin.f32 v9, v30  }
0x93: {  	v30 =	vmin.f32 v20, v30;
	v61 =	vmin.f32 v1, v55;
	v27 =	vadd.f32 v62, v27  }
0x94: {  	s31 =	sor.u32 s0, s30;
	v36 =	vmin.f32 v15, v54;
	v26 =	vadd.f32 v30, v26;
	v30 =	vadd.f32 v58, v10  }
0x95: {  	v57 =	vld [tilespmem:s31+$0x0];
	v24 =	vsub.f32 v32, v24;
	v58 =	vmin.f32 v12, v49;
	v41 =	vadd.f32 v31, v10  }
0x96: {  	v51 =	vld [tilespmem:s21+$0x0];
	v32 =	vmin.f32 v14, v50;
	v31 =	vadd.f32 v31, v21;
	v30 =	vsub.f32 v30, v29  }
0x97: {  	v37 =	vmin.f32 v17, v59;
	v34 =	vsub.f32 v42, v27;
	v35 =	vsub.f32 v43, v26  }
0x98: {  	s9 =	sor.u32 $0x2000, s30;
	v24 =	vtrunc.f32 v24;
	v43 =	vmin.f32 v3, v50;
	v33 =	vsub.f32 v41, v28  }
0x99: {  	s13 =	sor.u32 s1, s9;
	v31 =	vsub.f32 v31, v25;
	v48 =	vcvt.f32.s32 v24;
	v24 =	vsub.f32 $-2.231435300e+00, v22  }
0x9a: {  	v63 =	vld [tilespmem:s13+$0x0];
	v41 =	vmin.f32 v11, v57;
	v29 =	vsub.f32 v30, v29;
	v27 =	vsub.f32 v34, v27  }
0x9b: {  	s28 =	sor.u32 $0x280, s23;
	v26 =	vsub.f32 v35, v26;
	v35 =	vmin.f32 v13, v47;
	v34 =	vmin.f32 v11, v51  }
0x9c: {  	v42 =	vld [tilespmem:s28+$0x0];
	v47 =	vmin.f32 v6, v59;
	v28 =	vsub.f32 v33, v28;
	v25 =	vsub.f32 v31, v25  }
0x9d: {  	v30 =	vld [tilespmem:s17+$0x0];
	v22 =	vcvt.s32.f32 v48;
	v33 =	vmin.f32 v11, v45;
	v29 =	vtrunc.f32 v29  }
0x9e: {  	s5 =	sor.u32 $0x2080, s30;
	v31 =	vld [tilespmem:s17+$0x80];
	v45 =	vmin.f32 v4, v54;
	v27 =	vtrunc.f32 v27;
	v26 =	vtrunc.f32 v26  }
0x9f: {  	s11 =	sor.u32 s1, s5;
	v33 =	vadd.f32 v58, v33;
	v58 =	vmin.f32 v19, v63;
	v28 =	vtrunc.f32 v28  }
0xa0: {  	v48 =	vld [tilespmem:s11+$0x0];
	v44 =	vtrunc.f32 v25;
	v46 =	vcvt.f32.s32 v29;
	v25 =	vsub.f32 $-2.231435300e+00, v23  }
0xa1: {  	v27 =	vcvt.f32.s32 v27;
	v26 =	vcvt.f32.s32 v26;
	v62 =	vmin.f32 v5, v42  }
0xa2: {  	s2 =	sor.u32 $0x380, s23;
	v60 =	vld [tilespmem:s31+$0x80];
	v42 =	vmin.f32 v16, v42;
	v28 =	vcvt.f32.s32 v28;
	v29 =	vcvt.f32.s32 v44  }
0xa3: {  	v23 =	vcvt.s32.f32 v46;
	v52 =	vmin.f32 v0, v30;
	v46 =	vld [tilespmem:s2+$0x0];
	s2 =	sor.u32 $0x2100, s30;
	v53 =	vmin.f32 v1, v31  }
0xa4: {  	v30 =	vmin.f32 v11, v30;
	v31 =	vmin.f32 v12, v31;
	s14 =	sor.u32 s1, s2;
	v38 =	vadd.f32 v53, v52  }
0xa5: {  	v44 =	vmin.f32 v0, v51;
	v59 =	vmin.f32 v9, v48;
	v30 =	vadd.f32 v31, v30;
	v53 =	vld [tilespmem:s14+$0x0]  }
0xa6: {  	v29 =	vcvt.s32.f32 v29;
	v31 =	vmin.f32 v1, v49;
	v38 =	vadd.f32 v56, v38  }
0xa7: {  	v52 =	vmin.f32 v1, v60;
	v23 =	vmul.f32 $1.386294360e+00, v23;
	v30 =	vadd.f32 v35, v30  }
0xa8: {  	v54 =	vld [tilespmem:s19+$0x100];
	v31 =	vadd.f32 v31, v39;
	v49 =	vmin.f32 v7, v46;
	v38 =	vadd.f32 v43, v38  }
0xa9: {  	v56 =	vld [tilespmem:s21+$0x100];
	v46 =	vmin.f32 v18, v46;
	v30 =	vadd.f32 v32, v30;
	v32 =	vadd.f32 v61, v44  }
0xaa: {  	v43 =	vmin.f32 v12, v60;
	v61 =	vadd.f32 v53, v10;
	v38 =	vadd.f32 v45, v38  }
0xab: {  	v41 =	vadd.f32 v43, v41;
	v30 =	vadd.f32 v36, v30;
	v36 =	vmin.f32 v12, v55  }
0xac: {  	v45 =	vmin.f32 v0, v57;
	v55 =	vmin.f32 v8, v63;
	v38 =	vadd.f32 v62, v38  }
0xad: {  	v60 =	vld [tilespmem:s31+$0x100];
	v63 =	vmin.f32 v2, v54;
	v34 =	vadd.f32 v36, v34;
	v30 =	vadd.f32 v42, v30  }
0xae: {  	v50 =	vmin.f32 v2, v56;
	v31 =	vadd.f32 v63, v31;
	v38 =	vadd.f32 v47, v38  }
0xaf: {  	v62 =	vmin.f32 v20, v48;
	v30 =	vadd.f32 v37, v30;
	v47 =	vadd.f32 v53, v21;
	v53 =	vld [tilespmem:s21+$0x180]  }
0xb0: {  	s15 =	sadd.s32 $0x10, s6;
	v32 =	vadd.f32 v50, v32;
	v37 =	vmin.f32 v13, v54;
	v38 =	vadd.f32 v49, v38  }
0xb1: {  	s25 =	sor.u32 $0x280, s15;
	v51 =	vld [tilespmem:s19+$0x180];
	v30 =	vadd.f32 v46, v30;
	v49 =	vadd.f32 v52, v45;
	v52 =	vmin.f32 v13, v56  }
0xb2: {  	s17 =	sor.u32 $0x200, s15;
	v63 =	vld [tilespmem:s25+$0x0];
	v54 =	vmin.f32 v2, v60;
	v33 =	vadd.f32 v37, v33;
	v34 =	vadd.f32 v52, v34  }
0xb3: {  	s19 =	sadd.s32 $0x20, s6;
	v56 =	vld [tilespmem:s17+$0x0];
	v57 =	vadd.f32 v55, v38;
	v30 =	vadd.f32 v58, v30;
	v38 =	vmin.f32 v13, v60  }
0xb4: {  	s21 =	sor.u32 $0x200, s19;
	v55 =	vld [tilespmem:s31+$0x180];
	v39 =	vadd.f32 v54, v49;
	v38 =	vadd.f32 v38, v41;
	v60 =	vmin.f32 v3, v53  }
0xb5: {  	v58 =	vld [tilespmem:s21+$0x0];
	v36 =	vmin.f32 v14, v53;
	v35 =	vadd.f32 v59, v57;
	v30 =	vadd.f32 v62, v30  }
0xb6: {  	s28 =	sor.u32 $0x280, s19;
	v57 =	vmin.f32 v3, v51;
	v59 =	vmin.f32 v14, v51;
	v32 =	vadd.f32 v60, v32  }
0xb7: {  	s31 =	sor.u32 $0x280, s6;
	v53 =	vld [tilespmem:s28+$0x0];
	v34 =	vadd.f32 v36, v34;
	v60 =	vmin.f32 v5, v63;
	v41 =	vadd.f32 v57, v31  }
0xb8: {  	s3 =	sor.u32 $0x380, s15;
	v54 =	vld [tilespmem:s31+$0x0];
	v52 =	vmin.f32 v4, v56;
	v33 =	vadd.f32 v59, v33;
	v37 =	vmin.f32 v15, v56  }
0xb9: {  	s23 =	sor.u32 $0x200, s6;
	v49 =	vld [tilespmem:s3+$0x0];
	v48 =	vsub.f32 v61, v35;
	v40 =	vsub.f32 v47, v30;
	v62 =	vmin.f32 v3, v55  }
0xba: {  	s13 =	sor.u32 $0x300, s6;
	s12 =	sor.u32 $0x300, s19;
	s25 =	sor.u32 s8, s5;
	v57 =	vmin.f32 v15, v58;
	v41 =	vadd.f32 v52, v41;
	v33 =	vadd.f32 v37, v33  }
0xbb: {  	s28 =	sor.u32 s10, s5;
	s31 =	sor.u32 s0, s5;
	s5 =	rddreg [dreg:$0x2];
	v35 =	vsub.f32 v48, v35;
	v30 =	vsub.f32 v40, v30;
	v40 =	vmin.f32 v14, v55  }
0xbc: {  	s14 =	sor.u32 s18, s16;
	s6 =	rddreg [dreg:$0x3];
	s3 =	sadd.s32 s29, s5;
	v59 =	vld [tilespmem:s12+$0x0];
	v39 =	vadd.f32 v62, v39;
	v55 =	vmin.f32 v4, v58;
	v34 =	vadd.f32 v57, v34  }
0xbd: {  	s11 =	sor.u32 $0x300, s15;
	s17 =	sor.u32 $0x380, s14;
	s4 =	sadd.s32 s6, s3;
	v61 =	vld [tilespmem:s23+$0x0];
	v62 =	vmin.f32 v16, v63;
	v63 =	vmin.f32 v5, v54;
	v48 =	vmin.f32 v5, v53  }
0xbe: {  	s15 =	sor.u32 $0x380, s19;
	s19 =	sor.u32 s8, s9;
	v52 =	vld [tilespmem:s17+$0x0];
	s17 =	sadd.s32 s20, s4;
	v43 =	vmin.f32 v16, v54;
	v57 =	vmin.f32 v7, v49;
	v38 =	vadd.f32 v40, v38  }
0xbf: {  	s21 =	sor.u32 s10, s9;
	s23 =	sor.u32 s0, s9;
	s9 =	rddreg [dreg:$0x4];
	[tilespmem:s17+$0x0] =	vst v25;
	v25 =	vcvt.s32.f32 v26;
	v32 =	vadd.f32 v55, v32;
	v41 =	vadd.f32 v60, v41  }
0xc0: {  	v58 =	vld [tilespmem:s11+$0x0];
	v33 =	vadd.f32 v62, v33;
	v35 =	vtrunc.f32 v35;
	v30 =	vtrunc.f32 v30  }
0xc1: {  	v54 =	vmin.f32 v6, v59;
	v37 =	vmin.f32 v17, v59;
	v59 =	vmin.f32 v18, v49  }
0xc2: {  	v50 =	vld [tilespmem:s15+$0x0];
	v35 =	vcvt.f32.s32 v35;
	v30 =	vcvt.f32.s32 v30;
	v56 =	vmin.f32 v4, v61  }
0xc3: {  	v55 =	vld [tilespmem:s19+$0x0];
	v45 =	vmin.f32 v15, v61;
	v32 =	vadd.f32 v48, v32;
	v36 =	vadd.f32 v56, v39  }
0xc4: {  	v61 =	vld [tilespmem:s13+$0x0];
	v38 =	vadd.f32 v45, v38;
	v60 =	vmin.f32 v7, v52;
	v35 =	vcvt.s32.f32 v35  }
0xc5: {  	v49 =	vld [tilespmem:s31+$0x0];
	v30 =	vcvt.s32.f32 v30;
	v51 =	vmin.f32 v6, v58;
	v32 =	vadd.f32 v54, v32  }
0xc6: {  	v42 =	vmin.f32 v17, v58;
	v36 =	vadd.f32 v63, v36;
	v38 =	vadd.f32 v43, v38  }
0xc7: {  	v39 =	vmin.f32 v18, v50;
	v41 =	vadd.f32 v51, v41;
	v33 =	vadd.f32 v42, v33  }
0xc8: {  	v62 =	vld [tilespmem:s25+$0x0];
	v48 =	vmin.f32 v8, v55;
	v35 =	vmul.f32 $1.386294360e+00, v35;
	v30 =	vmul.f32 $1.386294360e+00, v30  }
0xc9: {  	s7 =	sor.u32 s8, s2;
	v40 =	vmin.f32 v17, v61;
	v41 =	vadd.f32 v57, v41;
	v33 =	vadd.f32 v59, v33  }
0xca: {  	v54 =	vld [tilespmem:s7+$0x0];
	v57 =	vmin.f32 v9, v49;
	v31 =	vsub.f32 $-2.231435300e+00, v35;
	v30 =	vsub.f32 $-2.231435300e+00, v30  }
0xcb: {  	v56 =	vld [tilespmem:s21+$0x0];
	v35 =	vmin.f32 v16, v53;
	v53 =	vmin.f32 v6, v61;
	v38 =	vadd.f32 v40, v38  }
0xcc: {  	v58 =	vld [tilespmem:s23+$0x0];
	v61 =	vmin.f32 v7, v50;
	v50 =	vmin.f32 v19, v55;
	v34 =	vadd.f32 v35, v34  }
0xcd: {  	s11 =	sor.u32 s10, s2;
	s2 =	sor.u32 s0, s2;
	v55 =	vmin.f32 v20, v62;
	v36 =	vadd.f32 v53, v36;
	v32 =	vadd.f32 v61, v32  }
0xce: {  	v59 =	vld [tilespmem:s2+$0x0];
	v35 =	vmin.f32 v18, v52;
	v41 =	vadd.f32 v48, v41;
	v33 =	vadd.f32 v50, v33  }
0xcf: {  	v63 =	vld [tilespmem:s28+$0x0];
	v53 =	vmin.f32 v9, v62;
	v61 =	vadd.f32 v54, v10;
	v62 =	vadd.f32 v54, v21  }
0xd0: {  	v52 =	vmin.f32 v8, v56;
	v35 =	vadd.f32 v35, v38;
	v34 =	vadd.f32 v37, v34  }
0xd1: {  	v36 =	vadd.f32 v60, v36;
	v37 =	vmin.f32 v19, v58;
	v32 =	vadd.f32 v52, v32  }
0xd2: {  	v42 =	vmin.f32 v19, v56;
	v56 =	vld [tilespmem:s11+$0x0];
	v37 =	vadd.f32 v37, v35;
	v35 =	vadd.f32 v53, v41  }
0xd3: {  	s12 =	rddreg [dreg:$0x2];
	v51 =	vmin.f32 v8, v58;
	v26 =	vadd.f32 v59, v10;
	v38 =	vadd.f32 v59, v21  }
0xd4: {  	s15 =	sadd.s32 s22, s4;
	s19 =	rddreg [dreg:$0x3];
	s13 =	sadd.s32 s9, s3;
	v58 =	vmin.f32 v9, v63;
	v34 =	vadd.f32 v39, v34;
	v43 =	vadd.f32 v51, v36  }
0xd5: {  	s5 =	sadd.s32 s30, s12;
	s21 =	rddreg [dreg:$0x4];
	s25 =	sadd.s32 s20, s13;
	v39 =	vmin.f32 v20, v49;
	v36 =	vadd.f32 v55, v33;
	v33 =	vadd.f32 v58, v32  }
0xd6: {  	s14 =	sadd.s32 s24, s13;
	s20 =	sadd.s32 s26, s4;
	s28 =	sadd.s32 s19, s5;
	v40 =	vmin.f32 v20, v63;
	v32 =	vadd.f32 v39, v37;
	v34 =	vadd.f32 v42, v34  }
0xd7: {  	s23 =	sadd.s32 s22, s13;
	s29 =	sadd.s32 s21, s5;
	s30 =	sadd.s32 s1, s28;
	v37 =	vcvt.s32.f32 v27;
	v27 =	vadd.f32 v56, v10;
	v63 =	vadd.f32 v56, v21  }
0xd8: {  	s22 =	sadd.s32 s24, s4;
	s24 =	sadd.s32 s26, s13;
	s31 =	sadd.s32 s1, s29;
	[tilespmem:s30+$0x0] =	vst v31;
	v60 =	vcvt.s32.f32 v28;
	v31 =	vsub.f32 v61, v35;
	v34 =	vadd.f32 v40, v34  }
0xd9: {  	[tilespmem:s25+$0x0] =	vst v24;
	v24 =	vmul.f32 $1.386294360e+00, v22;
	s13 =	sadd.s32 s8, s29;
	s26 =	sadd.s32 s0, s28;
	s0 =	sadd.s32 s0, s29;
	v28 =	vadd.f32 v57, v43;
	v39 =	vsub.f32 v62, v36  }
0xda: {  	s6 =	sadd.s32 s10, s28;
	s1 =	sadd.s32 s10, s29;
	s11 =	sadd.s32 s8, s28;
	[tilespmem:s31+$0x0] =	vst v30;
	v22 =	vmul.f32 $1.386294360e+00, v60;
	v27 =	vsub.f32 v27, v33;
	v30 =	vsub.f32 v63, v34  }
.LBB2_3:
0xdb: {  	s16 =	sadd.s32 $0x40, s16  }
0xdc: {  	s18 =	sadd.s32 $0x200, s18;
	v44 =	vmul.f32 $1.386294360e+00, v37;
	v26 =	vsub.f32 v26, v28;
	v38 =	vsub.f32 v38, v32;
	s10 =	sand.u32 $0x40, s16  }
0xdd: {  	v29 =	vmul.f32 $1.386294360e+00, v29;
	v31 =	vsub.f32 v31, v35;
	v43 =	vsub.f32 v39, v36;
	s9 =	sand.u32 $0x1C00, s18;
	s5 =	sor.u32 $0x30, s10  }
0xde: {  	p0 =	por !p0, !p0;
	s30 =	smov.u32 s11;
	v27 =	vsub.f32 v27, v33;
	v30 =	vsub.f32 v30, v34;
	v45 =	vmul.f32 $1.386294360e+00, v25;
	s3 =	sor.u32 s5, s9  }
0xdf: {  	s31 =	smov.u32 s13;
	s4 =	sor.u32 s18, s16;
	v49 =	vsub.f32 $-2.231435300e+00, v22;
	s12 =	sor.u32 $0x10, s10;
	v25 =	vsub.f32 v26, v28;
	v28 =	vtrunc.f32 v31;
	v31 =	vld [tilespmem:s3+$0x0]  }
0xe0: {  	v23 =	vsub.f32 $-2.231435300e+00, v23;
	v24 =	vsub.f32 $-2.231435300e+00, v24;
	s2 =	sor.u32 $0x380, s4;
	s4 =	simm.s32 $0x1;
	s19 =	sor.u32 s12, s9;
	v47 =	vld [tilespmem:s3+$0x80]  }
0xe1: {  	p1 =	slt.u32 s16, $0x3C0;
	[dreg:$0x7] =	wrdreg s30;
	v26 =	vsub.f32 v38, v32;
	v46 =	vtrunc.f32 v43;
	v27 =	vtrunc.f32 v27;
	s4 =	simm.s32 @!p0 $0x0;
	[tilespmem:s20+$0x0] =	vst v49;
	v48 =	vld [tilespmem:s19+$0x0]  }
0xe2: {  	[dreg:$0x5] =	wrdreg s31;
	s8 =	sor.u32 $0x20, s10;
	v30 =	vtrunc.f32 v30;
	[tilespmem:s22+$0x0] =	vst v23;
	s4 =	sshll.u32 s4, $0x6;
	v50 =	vld [tilespmem:s3+$0x100];
	v23 =	vcvt.f32.s32 v27;
	v27 =	vsub.f32 $-2.231435300e+00, v29  }
0xe3: {  	s21 =	sor.u32 s8, s9;
	v28 =	vcvt.f32.s32 v28;
	v32 =	vcvt.f32.s32 v46;
	v51 =	vld [tilespmem:s3+$0x180];
	[tilespmem:s14+$0x0] =	vst v24;
	s7 =	sadd.s32 s4, s18;
	s4 =	smov.u32 s6  }
0xe4: {  	v25 =	vtrunc.f32 v25;
	v26 =	vtrunc.f32 v26;
	v29 =	vld [tilespmem:s19+$0x80];
	[dreg:$0x8] =	wrdreg s4;
	s11 =	sadd.s32 $0x10, s7;
	s30 =	sadd.s32 $0x20, s7;
	[tilespmem:s24+$0x0] =	vst v27  }
0xe5: {  	v22 =	vcvt.f32.s32 v25;
	v25 =	vcvt.f32.s32 v30;
	v30 =	vsub.f32 $-2.231435300e+00, v44;
	s14 =	sadd.s32 $0x30, s7;
	s4 =	sor.u32 $0x200, s11;
	v52 =	vld [tilespmem:s21+$0x0];
	s29 =	sor.u32 $0x200, s30  }
0xe6: {  	v26 =	vcvt.f32.s32 v26;
	v24 =	vcvt.s32.f32 v28;
	v28 =	vsub.f32 $-2.231435300e+00, v45;
	s22 =	sor.u32 $0x200, s14;
	s20 =	sor.u32 $0x280, s11;
	s13 =	sor.u32 $0x280, s30;
	v60 =	vld [tilespmem:s21+$0x80]  }
0xe7: {  	v27 =	vcvt.s32.f32 v32;
	s28 =	sor.u32 $0x300, s11;
	s24 =	sor.u32 $0x280, s14;
	s6 =	sor.u32 $0x380, s11;
	[tilespmem:s15+$0x0] =	vst v30;
	v30 =	vld [tilespmem:s22+$0x0];
	v57 =	vmin.f32 v0, v31;
	v58 =	vmin.f32 v1, v47  }
0xe8: {  	s11 =	sor.u32 $0x380, s30;
	s22 =	sor.u32 $0x300, s30;
	v40 =	vld [tilespmem:s24+$0x0];
	s30 =	sor.u32 $0x300, s14;
	v31 =	vmin.f32 v11, v31;
	v34 =	vmin.f32 v12, v47;
	[tilespmem:s23+$0x0] =	vst v28;
	v28 =	vmin.f32 v0, v48  }
0xe9: {  	s17 =	sor.u32 s10, s9;
	[dreg:$0x6] =	wrdreg s2;
	s14 =	sor.u32 $0x380, s14;
	v61 =	vmin.f32 v2, v50;
	v38 =	vmin.f32 v13, v50;
	v35 =	vmin.f32 v11, v48;
	v54 =	vld [tilespmem:s30+$0x0]  }
0xea: {  	s2 =	smov.u32 s18;
	s18 =	smov.u32 s16;
	s25 =	sor.u32 $0x300, s7;
	v41 =	vmin.f32 v3, v51;
	v44 =	vld [tilespmem:s14+$0x0];
	v59 =	vadd.f32 v58, v57;
	v31 =	vadd.f32 v34, v31  }
0xeb: {  	s16 =	smov.u32 s26;
	[dreg:$0xb] =	wrdreg s25;
	s15 =	sor.u32 $0x2000, s9;
	v36 =	vmin.f32 v14, v51;
	v53 =	vld [tilespmem:s17+$0x0];
	v62 =	vmin.f32 v1, v29;
	v29 =	vmin.f32 v12, v29  }
0xec: {  	s24 =	smov.u32 s1;
	s1 =	sor.u32 $0x2080, s9;
	s25 =	sor.u32 s5, s15;
	v55 =	vld [tilespmem:s17+$0x80];
	v32 =	vadd.f32 v61, v59;
	v31 =	vadd.f32 v38, v31;
	v42 =	vmin.f32 v0, v52  }
0xed: {  	s31 =	sor.u32 $0x200, s7;
	s3 =	sor.u32 $0x280, s7;
	s7 =	sor.u32 s5, s1;
	v63 =	vld [tilespmem:s25+$0x0];
	v56 =	vmin.f32 v1, v60;
	v33 =	vmin.f32 v11, v52;
	v28 =	vadd.f32 v62, v28  }
0xee: {  	s23 =	smov.u32 s0;
	s30 =	sor.u32 s12, s15;
	s0 =	sor.u32 s8, s15;
	v48 =	vld [tilespmem:s7+$0x0];
	v29 =	vadd.f32 v29, v35;
	v43 =	vmin.f32 v4, v30;
	v30 =	vmin.f32 v15, v30  }
0xef: {  	s26 =	sor.u32 s10, s15;
	s15 =	sor.u32 s10, s1;
	v57 =	vld [tilespmem:s19+$0x100];
	s25 =	sor.u32 $0x2100, s9;
	v45 =	vmin.f32 v5, v40;
	v40 =	vmin.f32 v16, v40;
	v32 =	vadd.f32 v41, v32  }
0xf0: {  	[dreg:$0xa] =	wrdreg s15;
	s15 =	sor.u32 s5, s25;
	v31 =	vadd.f32 v36, v31;
	v47 =	vmin.f32 v6, v54;
	v38 =	vmin.f32 v17, v54  }
0xf1: {  	v58 =	vld [tilespmem:s15+$0x0];
	v49 =	vmin.f32 v7, v44;
	v44 =	vmin.f32 v18, v44;
	v36 =	vadd.f32 v56, v42  }
0xf2: {  	v52 =	vmin.f32 v1, v55;
	v39 =	vmin.f32 v11, v53;
	v41 =	vmin.f32 v12, v55  }
0xf3: {  	v61 =	vmin.f32 v19, v63;
	v62 =	vmin.f32 v9, v48;
	v54 =	vmin.f32 v20, v48  }
0xf4: {  	v46 =	vld [tilespmem:s21+$0x100];
	v55 =	vmin.f32 v2, v57;
	v32 =	vadd.f32 v43, v32;
	v30 =	vadd.f32 v30, v31  }
0xf5: {  	v31 =	vmin.f32 v12, v60;
	v39 =	vadd.f32 v41, v39;
	v28 =	vadd.f32 v55, v28  }
0xf6: {  	v59 =	vld [tilespmem:s17+$0x100];
	v43 =	vmin.f32 v13, v57;
	v56 =	vadd.f32 v58, v21;
	v31 =	vadd.f32 v31, v33  }
0xf7: {  	v60 =	vmin.f32 v8, v63;
	v29 =	vadd.f32 v43, v29;
	v32 =	vadd.f32 v45, v32  }
0xf8: {  	v50 =	vld [tilespmem:s29+$0x0];
	v45 =	vmin.f32 v0, v53;
	v30 =	vadd.f32 v40, v30;
	v53 =	vadd.f32 v58, v10  }
0xf9: {  	v35 =	vld [tilespmem:s21+$0x180];
	v58 =	vmin.f32 v2, v46;
	v40 =	vadd.f32 v52, v45;
	v32 =	vadd.f32 v47, v32  }
0xfa: {  	v63 =	vld [tilespmem:s4+$0x0];
	v46 =	vmin.f32 v13, v46;
	v36 =	vadd.f32 v58, v36;
	v30 =	vadd.f32 v38, v30  }
0xfb: {  	v33 =	vld [tilespmem:s3+$0x0];
	v51 =	vmin.f32 v2, v59;
	v31 =	vadd.f32 v46, v31;
	v32 =	vadd.f32 v49, v32  }
0xfc: {  	v41 =	vld [tilespmem:s13+$0x0];
	v38 =	vmin.f32 v13, v59;
	v40 =	vadd.f32 v51, v40;
	v30 =	vadd.f32 v44, v30  }
0xfd: {  	s13 =	rddreg [dreg:$0xb];
	v58 =	vmin.f32 v15, v50;
	v38 =	vadd.f32 v38, v39;
	v49 =	vld [tilespmem:s19+$0x180];
	v32 =	vadd.f32 v60, v32  }
0xfe: {  	v45 =	vld [tilespmem:s13+$0x0];
	v30 =	vadd.f32 v61, v30;
	v61 =	vmin.f32 v3, v35;
	v35 =	vmin.f32 v14, v35  }
0xff: {  	v37 =	vld [tilespmem:s17+$0x180];
	v34 =	vmin.f32 v15, v63;
	v36 =	vadd.f32 v61, v36;
	v31 =	vadd.f32 v35, v31  }
0x100: {  	v47 =	vld [tilespmem:s31+$0x0];
	v61 =	vmin.f32 v5, v33;
	v33 =	vmin.f32 v16, v33;
	v32 =	vadd.f32 v62, v32  }
0x101: {  	v42 =	vld [tilespmem:s20+$0x0];
	v30 =	vadd.f32 v54, v30;
	v62 =	vmin.f32 v4, v63;
	v63 =	vmin.f32 v4, v50  }
0x102: {  	v59 =	vmin.f32 v3, v49;
	v60 =	vmin.f32 v14, v49;
	v36 =	vadd.f32 v63, v36  }
0x103: {  	s21 =	rddreg [dreg:$0x6];
	v31 =	vadd.f32 v58, v31;
	v58 =	vmin.f32 v17, v45;
	v57 =	vsub.f32 v53, v32  }
0x104: {  	v52 =	vld [tilespmem:s21+$0x0];
	v44 =	vsub.f32 v56, v30;
	v53 =	vmin.f32 v3, v37;
	v37 =	vmin.f32 v14, v37  }
0x105: {  	v54 =	vld [tilespmem:s30+$0x0];
	v28 =	vadd.f32 v59, v28;
	v29 =	vadd.f32 v60, v29;
	v56 =	vmin.f32 v4, v47  }
0x106: {  	v55 =	vld [tilespmem:s26+$0x0];
	v47 =	vmin.f32 v15, v47;
	v59 =	vmin.f32 v5, v42;
	v40 =	vadd.f32 v53, v40  }
0x107: {  	s7 =	sor.u32 s10, s25;
	v43 =	vld [tilespmem:s22+$0x0];
	v60 =	vmin.f32 v16, v42;
	v32 =	vsub.f32 v57, v32;
	v30 =	vsub.f32 v44, v30  }
0x108: {  	s14 =	sor.u32 s12, s1;
	[dreg:$0x9] =	wrdreg s7;
	v39 =	vld [tilespmem:s6+$0x0];
	v57 =	vadd.f32 v37, v38;
	v28 =	vadd.f32 v62, v28;
	v62 =	vmin.f32 v5, v41  }
0x109: {  	s31 =	rddreg [dreg:$0x9];
	v51 =	vld [tilespmem:s14+$0x0];
	v29 =	vadd.f32 v34, v29;
	v41 =	vmin.f32 v16, v41;
	v36 =	vadd.f32 v62, v36  }
0x10a: {  	v42 =	vld [tilespmem:s31+$0x0];
	v31 =	vadd.f32 v41, v31;
	v62 =	vmin.f32 v7, v52;
	v50 =	vmin.f32 v19, v54  }
0x10b: {  	v44 =	vld [tilespmem:s28+$0x0];
	v32 =	vtrunc.f32 v32;
	v30 =	vtrunc.f32 v30;
	v35 =	vadd.f32 v47, v57  }
0x10c: {  	v28 =	vadd.f32 v59, v28;
	v29 =	vadd.f32 v60, v29;
	v57 =	vmin.f32 v6, v43  }
0x10d: {  	v49 =	vld [tilespmem:s11+$0x0];
	v43 =	vmin.f32 v17, v43;
	v59 =	vmin.f32 v7, v39;
	v47 =	vmin.f32 v18, v52  }
0x10e: {  	s7 =	sor.u32 s12, s25;
	v48 =	vld [tilespmem:s0+$0x0];
	v52 =	vmin.f32 v8, v55;
	v32 =	vcvt.f32.s32 v32;
	v30 =	vcvt.f32.s32 v30  }
0x10f: {  	v46 =	vld [tilespmem:s7+$0x0];
	v60 =	vadd.f32 v57, v36;
	v31 =	vadd.f32 v43, v31;
	v57 =	vmin.f32 v9, v51  }
0x110: {  	v38 =	vadd.f32 v42, v21;
	v32 =	vcvt.s32.f32 v32;
	v63 =	vmin.f32 v6, v44  }
0x111: {  	v33 =	vadd.f32 v33, v35;
	v53 =	vmin.f32 v17, v44;
	v28 =	vadd.f32 v63, v28  }
0x112: {  	s17 =	rddreg [dreg:$0x2];
	v29 =	vadd.f32 v53, v29;
	v63 =	vmin.f32 v7, v49;
	v32 =	vmul.f32 $1.386294360e+00, v32  }
0x113: {  	s3 =	sadd.s32 s9, s17;
	s19 =	rddreg [dreg:$0x3];
	v30 =	vcvt.s32.f32 v30;
	v33 =	vadd.f32 v58, v33;
	v35 =	vadd.f32 v63, v60  }
0x114: {  	s1 =	sor.u32 s8, s1;
	s4 =	sadd.s32 s19, s3;
	v53 =	vmin.f32 v8, v48;
	v63 =	vadd.f32 v46, v21;
	v32 =	vsub.f32 $-2.231435300e+00, v32  }
0x115: {  	s29 =	sadd.s32 s5, s4;
	v37 =	vld [tilespmem:s1+$0x0];
	v30 =	vmul.f32 $1.386294360e+00, v30;
	v28 =	vadd.f32 v59, v28;
	v33 =	vadd.f32 v47, v33  }
0x116: {  	[tilespmem:s29+$0x0] =	vst v32;
	v32 =	vadd.f32 v56, v40;
	v56 =	vmin.f32 v6, v45;
	v45 =	vmin.f32 v18, v49  }
0x117: {  	s28 =	rddreg [dreg:$0x4];
	v30 =	vsub.f32 $-2.231435300e+00, v30;
	v49 =	vmin.f32 v8, v54;
	v31 =	vadd.f32 v45, v31  }
0x118: {  	s25 =	sor.u32 s8, s25;
	s3 =	sadd.s32 s28, s3;
	v28 =	vadd.f32 v49, v28;
	v32 =	vadd.f32 v61, v32;
	v61 =	vmin.f32 v18, v39  }
0x119: {  	s30 =	rddreg [dreg:$0xa];
	s5 =	sadd.s32 s5, s3;
	v40 =	vld [tilespmem:s25+$0x0];
	v54 =	vmin.f32 v19, v48;
	v39 =	vadd.f32 v53, v35;
	v29 =	vadd.f32 v61, v29  }
0x11a: {  	[tilespmem:s5+$0x0] =	vst v30;
	v30 =	vld [tilespmem:s30+$0x0];
	v31 =	vadd.f32 v54, v31;
	v61 =	vmin.f32 v9, v37;
	v35 =	vadd.f32 v57, v28  }
0x11b: {  	v32 =	vadd.f32 v56, v32;
	v56 =	vmin.f32 v19, v55;
	v29 =	vadd.f32 v50, v29  }
0x11c: {  	v37 =	vmin.f32 v20, v37;
	v58 =	vadd.f32 v56, v33;
	v33 =	vadd.f32 v61, v39  }
0x11d: {  	v59 =	vmin.f32 v20, v51;
	v34 =	vadd.f32 v37, v31;
	v32 =	vadd.f32 v62, v32  }
0x11e: {  	v37 =	vcvt.s32.f32 v22;
	v22 =	vadd.f32 v40, v10;
	v40 =	vadd.f32 v40, v21  }
0x11f: {  	v60 =	vmin.f32 v9, v30;
	v30 =	vmin.f32 v20, v30;
	v32 =	vadd.f32 v52, v32  }
.Ltmp0:
0x120: {  	s20 =	rddreg [dreg:$0x8];
	v62 =	vcvt.s32.f32 v23;
	v36 =	vadd.f32 v59, v29;
	v29 =	vcvt.s32.f32 v25;
	(pc) =	sbr.rel @p1 .LBB2_3-.Ltmp0, $4  }
0x121: {  	s15 =	smov.u32 s16;
	s22 =	rddreg [dreg:$0x7];
	v25 =	vcvt.s32.f32 v26;
	v26 =	vadd.f32 v42, v10;
	v28 =	vadd.f32 v60, v32  }
0x122: {  	s16 =	smov.u32 s18;
	s18 =	smov.u32 s2;
	s14 =	rddreg [dreg:$0x5];
	v23 =	vmul.f32 $1.386294360e+00, v24;
	v32 =	vadd.f32 v30, v58;
	v30 =	vadd.f32 v46, v10  }
0x123: {  	s26 =	sadd.s32 s10, s4;
	s6 =	sadd.s32 s8, s4;
	s11 =	sadd.s32 s12, s4;
	v24 =	vmul.f32 $1.386294360e+00, v27;
	v27 =	vsub.f32 v22, v33;
	v39 =	vsub.f32 v63, v36  }
0x124: {  	s0 =	sadd.s32 s10, s3;
	s13 =	sadd.s32 s12, s3;
	s1 =	sadd.s32 s8, s3;
	v22 =	vmul.f32 $1.386294360e+00, v62;
	v31 =	vsub.f32 v30, v35;
	v30 =	vsub.f32 v40, v34  }
0x125: {  	v0 =	vsub.f32 v26, v28  }
0x126: {  	v2 =	vmul.f32 $1.386294360e+00, v29;
	v4 =	vsub.f32 v39, v36;
	v6 =	vsub.f32 v27, v33  }
0x127: {  	v5 =	vmul.f32 $1.386294360e+00, v37;
	v8 =	vmul.f32 $1.386294360e+00, v25;
	v3 =	vsub.f32 v31, v35  }
0x128: {  	v7 =	vsub.f32 v30, v34;
	v4 =	vtrunc.f32 v4;
	v6 =	vtrunc.f32 v6  }
0x129: {  	v9 =	vsub.f32 $-2.231435300e+00, v23;
	v3 =	vtrunc.f32 v3;
	v6 =	vcvt.f32.s32 v6  }
0x12a: {  	v10 =	vsub.f32 $-2.231435300e+00, v24;
	v7 =	vtrunc.f32 v7;
	v3 =	vcvt.f32.s32 v3  }
0x12b: {  	v60 =	vsub.f32 $-2.231435300e+00, v22;
	[tilespmem:s22+$0x0] =	vst v9;
	v7 =	vcvt.f32.s32 v7;
	v6 =	vcvt.s32.f32 v6  }
0x12c: {  	v2 =	vsub.f32 $-2.231435300e+00, v2;
	v4 =	vcvt.f32.s32 v4;
	[tilespmem:s14+$0x0] =	vst v10;
	v3 =	vcvt.s32.f32 v3  }
0x12d: {  	v5 =	vsub.f32 $-2.231435300e+00, v5;
	[tilespmem:s20+$0x0] =	vst v60;
	v61 =	vcvt.s32.f32 v7;
	v62 =	vmul.f32 $1.386294360e+00, v6  }
0x12e: {  	v8 =	vsub.f32 $-2.231435300e+00, v8;
	[tilespmem:s24+$0x0] =	vst v2;
	v4 =	vcvt.s32.f32 v4;
	v3 =	vmul.f32 $1.386294360e+00, v3  }
0x12f: {  	v1 =	vsub.f32 v38, v32;
	[tilespmem:s15+$0x0] =	vst v5;
	v2 =	vmul.f32 $1.386294360e+00, v61;
	v63 =	vsub.f32 $-2.231435300e+00, v62  }
0x130: {  	v0 =	vsub.f32 v0, v28;
	[tilespmem:s23+$0x0] =	vst v8;
	v4 =	vmul.f32 $1.386294360e+00, v4;
	v3 =	vsub.f32 $-2.231435300e+00, v3  }
0x131: {  	v1 =	vsub.f32 v1, v32;
	v2 =	vsub.f32 $-2.231435300e+00, v2;
	[tilespmem:s6+$0x0] =	vst v63  }
0x132: {  	v0 =	vtrunc.f32 v0;
	v4 =	vsub.f32 $-2.231435300e+00, v4;
	[tilespmem:s11+$0x0] =	vst v3  }
0x133: {  	v1 =	vtrunc.f32 v1;
	v0 =	vcvt.f32.s32 v0;
	[tilespmem:s1+$0x0] =	vst v2  }
0x134: {  	v1 =	vcvt.f32.s32 v1;
	[tilespmem:s13+$0x0] =	vst v4  }
0x135: {  	v0 =	vcvt.s32.f32 v0;
	s4 =	rddreg [dreg:$0x1a]  }
0x136: {  	v1 =	vcvt.s32.f32 v1;
	s4 =	sadd.s32 $0x1, s4  }
0x137: {  	v0 =	vmul.f32 $1.386294360e+00, v0;
	p0 =	sne.s32 s4, $0x8  }
.Ltmp1:
0x138: {  	v1 =	vmul.f32 $1.386294360e+00, v1;
	(pc) =	sbr.rel @p0 .LBB2_2-.Ltmp1, $4  }
0x139: {  	v0 =	vsub.f32 $-2.231435300e+00, v0  }
0x13a: {  	v1 =	vsub.f32 $-2.231435300e+00, v1  }
0x13b: {  	[tilespmem:s26+$0x0] =	vst v0  }
0x13c: {  	[tilespmem:s0+$0x0] =	vst v1  }
0x13d: {  	s4 =	simm.s32 $0x0  }
0x13e: {  	s0 =	rddreg [dreg:$0xd];
	s1 =	simm.s32 $0xC000;
	s3 =	simm.s32 $0x1  }
0x13f: {  	[hbm4b:s0+s4] =	stream.linear.scatter [tilespmem:s1], [sflag:$0x1], $0x4000, $0x38;
	[tilespmem:$0x10000] =	vst v63  }
0x140: {  	_ =	swait.ge [sflag:s3], $0x4000  }
0x141: {  	s30 =	rddreg [dreg:$0x19]  }
0x142: {  	s31 =	rddreg [dreg:$0xe];
	s1 =	sadd.s32 $0x1, s30  }
0x143: {  	p0 =	sne.s32 s1, s31  }
.Ltmp2:
0x144: {  	_ = 	snop;
	(pc) =	sbr.rel @p0 .LBB2_1-.Ltmp2, $3  }
0x145: {  	_ =	sdelay $0x1  }
0x146: {  	[sflag:s3] =	ssyncset.done $0x0  }
0x147: {  	[sflag:s3] =	ssyncadd.s32 $0xFFFFC000  }
0x148: {  	_ =	sfence.sel $0x180000  }
0x149: {  	[bflag:$0x0] =	sbarrier.arrive $0xFFFF  }
0x14a: {  	_ =	strace $0x90000047  }
0x14b: {  	s0 =	stileid.u32;
	[bflag:$0x2] =	sbarrier.arrive $0xFFFF  }
0x14c: {  	p0 =	sne.s32 s0, $0x0;
	s0 =	rddreg [dreg:$0x1]  }
0x14d: {  	s0 =	sadd.s32 @!p0 $0x100000, s0  }
0x14e: {  	[sflag:s0] =	ssyncadd.tile.s32 @!p0 $0x1;
	_ =	shalt  }
.Lfunc_end2:
_tile_overlayer_lowered:
.L_overlay_start_2:
0x14f: {  	(tag) =	ssettag $0x2  }
0x150: {  	s0 =	rddreg [dreg:$0x0];
	s2 =	stileid.u32  }
0x151: {  	s1 =	rddreg [dreg:$0x1];
	p0 =	sne.s32 s2, $0x0  }
0x152: {  	s3 =	rddreg [dreg:$0x2];
	[bflag:$0x3] =	sbarrier.arrive $0xFFFF;
	s2 =	simm.s32 @!p0 $0x1C01  }
0x153: {  	[timem:s3], [sflag:s2] =	dma.local @!p0 [hbm:s0], s1  }
0x154: {  	s0 =	simm.s32 @!p0 $0x1  }
0x155: {  	_ =	swait.ge @!p0 [sflag:s0], s1  }
0x156: {  	s1 =	ssub.s32 @!p0 $0x0, s1;
	[sflag:s0] =	ssyncset.done @!p0 $0x0  }
0x157: {  	[sflag:s0] =	ssyncadd.s32 @!p0 s1  }
0x158: {  	[bflag:$0x3] =	sbarrier.arrive $0xFFFF  }
0x159: {  	_ =	shalt  }

</sc_bundles>
